<compile_context>
chip_gen: v7x
topology: tpu7x:2x2x1
jax: 0.10.2.dev20260603
libtpu: 0.0.44.dev20260713+nightly
codegen_flags: <defaults>
</compile_context>

<pallas_src>
import functools

import jax
import jax.numpy as jnp
from jax import lax
from jax.experimental import pallas as pl
from jax.experimental.pallas import tpu as pltpu
from jax.experimental.pallas import tpu_sc as plsc

N = 10000
D = 128
E = 320000

NC = 2
NS = 16
NW = NC * NS
CHUNK = 128
NCH = -(-E // (NW * CHUNK))
EPAD = NW * NCH * CHUNK
NPAD = 10240
ROWS_PER_TILE = NPAD // NS

_mesh = plsc.VectorSubcoreMesh(
    core_axis_name="c", subcore_axis_name="s", num_cores=NC, num_subcores=NS
)


@functools.partial(
    pl.kernel,
    out_type=jax.ShapeDtypeStruct((NC, NPAD), jnp.float32),
    mesh=_mesh,
    scratch_types=[
        pltpu.VMEM_SHARED((NPAD,), jnp.float32),
        pltpu.VMEM((NCH, CHUNK), jnp.int32),
        pltpu.VMEM((CHUNK,), jnp.float32),
        pltpu.VMEM((ROWS_PER_TILE,), jnp.float32),
    ],
)
def _sc_deg(dst_hbm, out_hbm, acc_sp, dst_v, ones_v, zb_v):
    c = lax.axis_index("c")
    s = lax.axis_index("s")
    wid = s * NC + c

    def zfill(i, _):
        zb_v[pl.ds(i * 16, 16)] = jnp.zeros((16,), jnp.float32)
        return 0

    lax.fori_loop(0, ROWS_PER_TILE // 16, zfill, 0)

    def ofill(i, _):
        ones_v[pl.ds(i * 16, 16)] = jnp.ones((16,), jnp.float32)
        return 0

    lax.fori_loop(0, CHUNK // 16, ofill, 0)

    pltpu.sync_copy(zb_v, acc_sp.at[pl.ds(s * ROWS_PER_TILE, ROWS_PER_TILE)])
    plsc.subcore_barrier()

    pltpu.sync_copy(dst_hbm.at[wid], dst_v)

    def body(j, _):
        pltpu.sync_copy(ones_v, acc_sp.at[dst_v.at[j]], add=True)
        return 0

    lax.fori_loop(0, NCH, body, 0)
    plsc.subcore_barrier()
    pltpu.sync_copy(
        acc_sp.at[pl.ds(s * ROWS_PER_TILE, ROWS_PER_TILE)],
        out_hbm.at[c, pl.ds(s * ROWS_PER_TILE, ROWS_PER_TILE)],
    )


@functools.partial(
    pl.kernel,
    out_type=jax.ShapeDtypeStruct((NC, NPAD, D), jnp.float32),
    mesh=_mesh,
    scratch_types=[
        pltpu.VMEM_SHARED((NPAD, D), jnp.float32),
        pltpu.VMEM((NCH, CHUNK), jnp.int32),
        pltpu.VMEM((NCH, CHUNK), jnp.int32),
        pltpu.VMEM((CHUNK, D), jnp.float32),
        pltpu.SemaphoreType.DMA,
    ],
)
def _sc_agg(table_hbm, src_hbm, dst_hbm, out_hbm, acc_sp, src_v, dst_v, rows_v, sem):
    c = lax.axis_index("c")
    s = lax.axis_index("s")
    wid = s * NC + c

    def zr(i, _):
        for k in range(D // 16):
            rows_v[i, pl.ds(k * 16, 16)] = jnp.zeros((16,), jnp.float32)
        return 0

    lax.fori_loop(0, CHUNK, zr, 0)

    def zs(k, _):
        pltpu.sync_copy(
            rows_v, acc_sp.at[pl.ds(s * ROWS_PER_TILE + k * CHUNK, CHUNK)]
        )
        return 0

    lax.fori_loop(0, ROWS_PER_TILE // CHUNK, zs, 0)
    plsc.subcore_barrier()

    pltpu.sync_copy(src_hbm.at[wid], src_v)
    pltpu.sync_copy(dst_hbm.at[wid], dst_v)

    def body(j, _):
        pltpu.async_copy(table_hbm.at[src_v.at[j]], rows_v, sem).wait()
        pltpu.sync_copy(rows_v, acc_sp.at[dst_v.at[j]], add=True)
        return 0

    lax.fori_loop(0, NCH, body, 0)
    plsc.subcore_barrier()

    def co(k, _):
        pltpu.sync_copy(
            acc_sp.at[pl.ds(s * ROWS_PER_TILE + k * CHUNK, CHUNK)],
            out_hbm.at[c, pl.ds(s * ROWS_PER_TILE + k * CHUNK, CHUNK)],
        )
        return 0

    lax.fori_loop(0, ROWS_PER_TILE // CHUNK, co, 0)


_BR = 1024


def _dis_of(deg_ref):
    deg = deg_ref[0, :] + deg_ref[1, :] + 1.0
    return lax.rsqrt(deg)


def _tc1_body(deg_ref, x_ref, w_ref, o_ref):
    dis = _dis_of(deg_ref)
    xw = jnp.dot(x_ref[...], w_ref[...], preferred_element_type=jnp.float32)
    o_ref[...] = xw * dis[:, None]


def _tc2_body(deg_ref, acc_ref, xws_ref, b_ref, w_ref, h_ref, o_ref):
    dis = _dis_of(deg_ref)
    h = jnp.maximum(
        dis[:, None] * (acc_ref[0] + acc_ref[1] + xws_ref[...]) + b_ref[...], 0.0
    )
    h_ref[...] = h
    o_ref[...] = jnp.dot(h, w_ref[...], preferred_element_type=jnp.float32) * dis[:, None]


def _tc3_body(deg_ref, acc_ref, xws_ref, b_ref, h1_ref, o_ref):
    dis = _dis_of(deg_ref)
    h2 = jnp.maximum(
        dis[:, None] * (acc_ref[0] + acc_ref[1] + xws_ref[...]) + b_ref[...], 0.0
    )
    o_ref[:, :D] = h1_ref[...]
    o_ref[:, D:] = h2


_deg_spec = pl.BlockSpec((NC, _BR), lambda i: (0, i))
_row_spec = pl.BlockSpec((_BR, D), lambda i: (i, 0))
_acc_spec = pl.BlockSpec((NC, _BR, D), lambda i: (0, i, 0))
_w_spec = pl.BlockSpec((D, D), lambda i: (0, 0))
_b_spec = pl.BlockSpec((1, D), lambda i: (0, 0))
_grid = (NPAD // _BR,)

_tc1 = pl.pallas_call(
    _tc1_body,
    grid=_grid,
    in_specs=[_deg_spec, _row_spec, _w_spec],
    out_specs=_row_spec,
    out_shape=jax.ShapeDtypeStruct((NPAD, D), jnp.float32),
)

_tc2 = pl.pallas_call(
    _tc2_body,
    grid=_grid,
    in_specs=[_deg_spec, _acc_spec, _row_spec, _b_spec, _w_spec],
    out_specs=[_row_spec, _row_spec],
    out_shape=[
        jax.ShapeDtypeStruct((NPAD, D), jnp.float32),
        jax.ShapeDtypeStruct((NPAD, D), jnp.float32),
    ],
)

_tc3 = pl.pallas_call(
    _tc3_body,
    grid=_grid,
    in_specs=[_deg_spec, _acc_spec, _row_spec, _b_spec, _row_spec],
    out_specs=pl.BlockSpec((_BR, 2 * D), lambda i: (i, 0)),
    out_shape=jax.ShapeDtypeStruct((NPAD, 2 * D), jnp.float32),
)


@jax.jit
def kernel(x, edge_index, W1, b1, W2, b2):
    src = edge_index[0].astype(jnp.int32)
    dst = edge_index[1].astype(jnp.int32)
    pad = EPAD - E
    padv = jnp.full((pad,), N, jnp.int32)
    src_r = jnp.concatenate([src, padv]).reshape(NW, NCH, CHUNK)
    dst_r = jnp.concatenate([dst, padv]).reshape(NW, NCH, CHUNK)
    x_pad = jnp.pad(x, ((0, NPAD - N), (0, 0)))
    b1r = b1.reshape(1, D)
    b2r = b2.reshape(1, D)

    deg2 = _sc_deg(dst_r)
    xw1s = _tc1(deg2, x_pad, W1)
    acc1 = _sc_agg(xw1s, src_r, dst_r)
    h1p, xw2s = _tc2(deg2, acc1, xw1s, b1r, W2)
    acc2 = _sc_agg(xw2s, src_r, dst_r)
    out = _tc3(deg2, acc2, xw2s, b2r, h1p)
    return out[:N]

# --- scband reference (transcript-rebuilt; emitter-appended) ---
"""Pipeline reference for scband-gcnencoder-42640435314981 (READ-ONLY COPY).

The authoritative reference and input builder live on the scoring server;
editing this copy changes nothing except your own understanding.
"""

import jax, jax.numpy as jnp
import numpy as np

N_NODES = 10000
N_EDGES = 320000
D_IN = 128
D_HID = 128


def setup_inputs(seed: int = 0) -> dict:
    key = jax.random.key(seed)
    k_x, k_e, k_w1, k_b1, k_w2, k_b2 = jax.random.split(key, 6)
    x = jax.random.normal(k_x, (N_NODES, D_IN), dtype=jnp.float32)
    edge_index = jax.random.randint(k_e, (2, N_EDGES), 0, N_NODES, dtype=jnp.int64)
    # Glorot-style init for GCNConv weights, zeros for bias (PyG default)
    s1 = (6.0 / (D_IN + D_HID)) ** 0.5
    W1 = jax.random.uniform(k_w1, (D_IN, D_HID), dtype=jnp.float32, minval=-s1, maxval=s1)
    b1 = jnp.zeros((D_HID,), dtype=jnp.float32)
    s2 = (6.0 / (D_HID + D_HID)) ** 0.5
    W2 = jax.random.uniform(k_w2, (D_HID, D_HID), dtype=jnp.float32, minval=-s2, maxval=s2)
    b2 = jnp.zeros((D_HID,), dtype=jnp.float32)
    return {"x": x, "edge_index": edge_index, "W1": W1, "b1": b1, "W2": W2, "b2": b2}


def _gcn_conv(x, edge_index, W, b):
    # Faithful to torch_geometric GCNConv: add self-loops, symmetric normalization,
    # linear transform, scatter-add aggregation at destination nodes, then bias.
    n = x.shape[0]
    loop = jnp.arange(n, dtype=edge_index.dtype)
    src = jnp.concatenate([edge_index[0], loop])
    dst = jnp.concatenate([edge_index[1], loop])
    deg = jnp.zeros((n,), dtype=x.dtype).at[dst].add(1.0)
    deg_inv_sqrt = jnp.where(deg > 0, jax.lax.rsqrt(deg), 0.0)
    norm = deg_inv_sqrt[src] * deg_inv_sqrt[dst]
    xw = x @ W
    msg = xw[src] * norm[:, None]
    out = jnp.zeros((n, W.shape[1]), dtype=x.dtype).at[dst].add(msg)
    return out + b


def reference(x, edge_index, W1, b1, W2, b2):
    h1 = jax.nn.relu(_gcn_conv(x, edge_index, W1, b1))
    h2 = jax.nn.relu(_gcn_conv(h1, edge_index, W2, b2))
    return jnp.concatenate([h1, h2], axis=1)

if __name__ == "__main__":
    import jax
    _d = setup_inputs()
    print(jax.jit(kernel)(*tuple(_d.values())))

</pallas_src>

<mosaic_0001>
#map = affine_map<(d0, d1) -> (0, 0, 0)>
#map1 = affine_map<(d0, d1) -> (0, 0)>
module attributes {stable_mosaic.version = 14 : i64} {
  func.func @_sc_deg(%arg0: i32, %arg1: i32, %arg2: memref<32x79x128xi32, #tpu.memory_space<hbm>>, %arg3: memref<2x10240xf32, #tpu.memory_space<hbm>>, %arg4: memref<10240xf32, #tpu.memory_space<vmem_shared>>, %arg5: memref<79x128xi32, #tpu.memory_space<vmem>>, %arg6: memref<128xf32, #tpu.memory_space<vmem>>, %arg7: memref<640xf32, #tpu.memory_space<vmem>>) attributes {dimension_semantics = [#tpu.dimension_semantics<core_parallel>, #tpu.dimension_semantics<subcore_parallel>], iteration_bounds = array<i64: 2, 16>, scalar_prefetch = 0 : i64, scratch_operands = 4 : i64, tpu.core_type = #tpu.core_type<sc_vector_subcore>, window_params = [{transform_indices = #map}, {transform_indices = #map1}]} {
    %mul3A = arith.constant 2 : i32
    %mul3A_0 = arith.muli %arg1, %mul3A : i32
    %add3A = arith.addi %mul3A_0, %arg0 : i32
    %scan3A = arith.constant 0 : i32
    %scan3A_1 = arith.constant 0 : i32
    %scan3A_2 = arith.constant 40 : i32
    %scan3A_3 = arith.addi %scan3A_1, %scan3A_2 : i32
    %scan3A_4 = arith.constant 1 : i32
    %scan3A_5 = scf.for %scan3A_28 = %scan3A_1 to %scan3A_3 step %scan3A_4 iter_args(%scan3A_29 = %scan3A) -> (i32)  : i32 {
      %broadcast_in_dim3A = arith.constant 0.000000e+00 : f32
      %broadcast_in_dim3A_30 = vector.broadcast %broadcast_in_dim3A : f32 to vector<16xf32>
      %mul3A_31 = arith.constant 16 : i32
      %mul3A_32 = arith.muli %scan3A_28, %mul3A_31 : i32
      %swap3A = arith.index_cast %mul3A_32 : i32 to index
      %swap3A_33 = tpu.vector_load %arg7[%swap3A] {strides = array<i32>} : memref<640xf32, #tpu.memory_space<vmem>>, vector<16xf32>,
      %swap3A_34 = vector.shape_cast %swap3A_33 : vector<16xf32> to vector<16xf32>
      %swap3A_35 = vector.shape_cast %broadcast_in_dim3A_30 : vector<16xf32> to vector<16xf32>
      tpu.vector_store %arg7[%swap3A], %swap3A_35 {strides = array<i32>} : memref<640xf32, #tpu.memory_space<vmem>>, vector<16xf32>,
      %scan3A_36 = arith.constant 0 : i32
      scf.yield %scan3A_36 : i32
    }
    %scan3A_6 = arith.constant 40 : i32
    %scan3A_7 = arith.constant 0 : i32
    %scan3A_8 = arith.constant 0 : i32
    %scan3A_9 = arith.constant 8 : i32
    %scan3A_10 = arith.addi %scan3A_8, %scan3A_9 : i32
    %scan3A_11 = arith.constant 1 : i32
    %scan3A_12 = scf.for %scan3A_28 = %scan3A_8 to %scan3A_10 step %scan3A_11 iter_args(%scan3A_29 = %scan3A_7) -> (i32)  : i32 {
      %broadcast_in_dim3A = arith.constant 1.000000e+00 : f32
      %broadcast_in_dim3A_30 = vector.broadcast %broadcast_in_dim3A : f32 to vector<16xf32>
      %mul3A_31 = arith.constant 16 : i32
      %mul3A_32 = arith.muli %scan3A_28, %mul3A_31 : i32
      %swap3A = arith.index_cast %mul3A_32 : i32 to index
      %swap3A_33 = tpu.vector_load %arg6[%swap3A] {strides = array<i32>} : memref<128xf32, #tpu.memory_space<vmem>>, vector<16xf32>,
      %swap3A_34 = vector.shape_cast %swap3A_33 : vector<16xf32> to vector<16xf32>
      %swap3A_35 = vector.shape_cast %broadcast_in_dim3A_30 : vector<16xf32> to vector<16xf32>
      tpu.vector_store %arg6[%swap3A], %swap3A_35 {strides = array<i32>} : memref<128xf32, #tpu.memory_space<vmem>>, vector<16xf32>,
      %scan3A_36 = arith.constant 0 : i32
      scf.yield %scan3A_36 : i32
    }
    %scan3A_13 = arith.constant 8 : i32
    %mul3A_14 = arith.constant 640 : i32
    %mul3A_15 = arith.muli %arg1, %mul3A_14 : i32
    "tpu.region"() ({
      %run_scoped3A = tpu.sem_alloc : memref<!tpu.dma_semaphore, #tpu.memory_space<semaphore_mem>>
      %dma_start3A = tpu.memref_slice %arg4[%mul3A_15] : memref<10240xf32, #tpu.memory_space<vmem_shared>> -> memref<640xf32, #tpu.memory_space<vmem_shared>>
      %dma_start3A_28 = tpu.memref_slice %arg4[%mul3A_15] : memref<10240xf32, #tpu.memory_space<vmem_shared>> -> memref<640xf32, #tpu.memory_space<vmem_shared>>
      tpu.enqueue_dma source(%arg7 : memref<640xf32, #tpu.memory_space<vmem>>) target(%dma_start3A_28 : memref<640xf32, #tpu.memory_space<vmem_shared>>) target_semaphore(%run_scoped3A : memref<!tpu.dma_semaphore, #tpu.memory_space<semaphore_mem>>)
      %dma_wait3A = tpu.memref_slice %arg4[%mul3A_15] : memref<10240xf32, #tpu.memory_space<vmem_shared>> -> memref<640xf32, #tpu.memory_space<vmem_shared>>
      %dma_wait3A_29 = tpu.memref_slice %arg4[%mul3A_15] : memref<10240xf32, #tpu.memory_space<vmem_shared>> -> memref<640xf32, #tpu.memory_space<vmem_shared>>
      tpu.wait_dma2 semaphore(%run_scoped3A : memref<!tpu.dma_semaphore, #tpu.memory_space<semaphore_mem>>) src(%arg7 : memref<640xf32, #tpu.memory_space<vmem>>) dst(%dma_wait3A_29 : memref<640xf32, #tpu.memory_space<vmem_shared>>)
      tpu.yield
    }) : () -> ()
    %barrier3A = arith.constant 0 : index
    tpu.barrier barrier_id(%barrier3A)
    "tpu.region"() ({
      %run_scoped3A = tpu.sem_alloc : memref<!tpu.dma_semaphore, #tpu.memory_space<semaphore_mem>>
      %dma_start3A = arith.constant 0 : i32
      %dma_start3A_28 = arith.constant 0 : i32
      %dma_start3A_29 = tpu.memref_slice %arg2[%add3A, %dma_start3A, %dma_start3A_28] : memref<32x79x128xi32, #tpu.memory_space<hbm>> -> memref<1x79x128xi32, #tpu.memory_space<hbm>>
      %dma_start3A_30 = tpu.memref_squeeze %dma_start3A_29 : memref<1x79x128xi32, #tpu.memory_space<hbm>> -> memref<79x128xi32, #tpu.memory_space<hbm>>
      %dma_start3A_31 = arith.constant 0 : i32
      %dma_start3A_32 = arith.constant 0 : i32
      %dma_start3A_33 = tpu.memref_slice %arg2[%add3A, %dma_start3A_31, %dma_start3A_32] : memref<32x79x128xi32, #tpu.memory_space<hbm>> -> memref<1x79x128xi32, #tpu.memory_space<hbm>>
      %dma_start3A_34 = tpu.memref_squeeze %dma_start3A_33 : memref<1x79x128xi32, #tpu.memory_space<hbm>> -> memref<79x128xi32, #tpu.memory_space<hbm>>
      tpu.enqueue_dma source(%dma_start3A_34 : memref<79x128xi32, #tpu.memory_space<hbm>>) target(%arg5 : memref<79x128xi32, #tpu.memory_space<vmem>>) target_semaphore(%run_scoped3A : memref<!tpu.dma_semaphore, #tpu.memory_space<semaphore_mem>>)
      %dma_wait3A = arith.constant 0 : i32
      %dma_wait3A_35 = arith.constant 0 : i32
      %dma_wait3A_36 = tpu.memref_slice %arg2[%add3A, %dma_wait3A, %dma_wait3A_35] : memref<32x79x128xi32, #tpu.memory_space<hbm>> -> memref<1x79x128xi32, #tpu.memory_space<hbm>>
      %dma_wait3A_37 = tpu.memref_squeeze %dma_wait3A_36 : memref<1x79x128xi32, #tpu.memory_space<hbm>> -> memref<79x128xi32, #tpu.memory_space<hbm>>
      %dma_wait3A_38 = arith.constant 0 : i32
      %dma_wait3A_39 = arith.constant 0 : i32
      %dma_wait3A_40 = tpu.memref_slice %arg2[%add3A, %dma_wait3A_38, %dma_wait3A_39] : memref<32x79x128xi32, #tpu.memory_space<hbm>> -> memref<1x79x128xi32, #tpu.memory_space<hbm>>
      %dma_wait3A_41 = tpu.memref_squeeze %dma_wait3A_40 : memref<1x79x128xi32, #tpu.memory_space<hbm>> -> memref<79x128xi32, #tpu.memory_space<hbm>>
      tpu.wait_dma2 semaphore(%run_scoped3A : memref<!tpu.dma_semaphore, #tpu.memory_space<semaphore_mem>>) src(%dma_wait3A_41 : memref<79x128xi32, #tpu.memory_space<hbm>>) dst(%arg5 : memref<79x128xi32, #tpu.memory_space<vmem>>)
      tpu.yield
    }) : () -> ()
    %scan3A_16 = arith.constant 0 : i32
    %scan3A_17 = arith.constant 0 : i32
    %scan3A_18 = arith.constant 79 : i32
    %scan3A_19 = arith.addi %scan3A_17, %scan3A_18 : i32
    %scan3A_20 = arith.constant 1 : i32
    %scan3A_21 = scf.for %scan3A_28 = %scan3A_17 to %scan3A_19 step %scan3A_20 iter_args(%scan3A_29 = %scan3A_16) -> (i32)  : i32 {
      "tpu.region"() ({
        %run_scoped3A = tpu.sem_alloc : memref<!tpu.dma_semaphore, #tpu.memory_space<semaphore_mem>>
        %dma_start3A = arith.constant 0 : i32
        %dma_start3A_31 = tpu.memref_slice %arg5[%scan3A_28, %dma_start3A] : memref<79x128xi32, #tpu.memory_space<vmem>> -> memref<1x128xi32, #tpu.memory_space<vmem>>
        %dma_start3A_32 = tpu.memref_squeeze %dma_start3A_31 : memref<1x128xi32, #tpu.memory_space<vmem>> -> memref<128xi32, #tpu.memory_space<vmem>>
        %dma_start3A_33 = arith.constant 0 : i32
        %dma_start3A_34 = tpu.memref_slice %arg4[%dma_start3A_33] : memref<10240xf32, #tpu.memory_space<vmem_shared>> -> memref<10240xf32, #tpu.memory_space<vmem_shared>>
        tpu.enqueue_indirect_dma source(%arg6 : memref<128xf32, #tpu.memory_space<vmem>>) target(%dma_start3A_34 : memref<10240xf32, #tpu.memory_space<vmem_shared>>) offsets(%dma_start3A_32 : memref<128xi32, #tpu.memory_space<vmem>>) semaphore(%run_scoped3A : memref<!tpu.dma_semaphore, #tpu.memory_space<semaphore_mem>>) {add = true}
        %dma_wait3A = arith.constant 0 : i32
        %dma_wait3A_35 = tpu.memref_slice %arg5[%scan3A_28, %dma_wait3A] : memref<79x128xi32, #tpu.memory_space<vmem>> -> memref<1x128xi32, #tpu.memory_space<vmem>>
        %dma_wait3A_36 = tpu.memref_squeeze %dma_wait3A_35 : memref<1x128xi32, #tpu.memory_space<vmem>> -> memref<128xi32, #tpu.memory_space<vmem>>
        %dma_wait3A_37 = arith.constant 0 : i32
        %dma_wait3A_38 = tpu.memref_slice %arg4[%dma_wait3A_37] : memref<10240xf32, #tpu.memory_space<vmem_shared>> -> memref<10240xf32, #tpu.memory_space<vmem_shared>>
        tpu.wait_indirect_dma semaphore(%run_scoped3A : memref<!tpu.dma_semaphore, #tpu.memory_space<semaphore_mem>>) src(%arg6 : memref<128xf32, #tpu.memory_space<vmem>>) dst(%dma_wait3A_38 : memref<10240xf32, #tpu.memory_space<vmem_shared>>)
        tpu.yield
      }) : () -> ()
      %scan3A_30 = arith.constant 0 : i32
      scf.yield %scan3A_30 : i32
    }
    %scan3A_22 = arith.constant 79 : i32
    %barrier3A_23 = arith.constant 0 : index
    tpu.barrier barrier_id(%barrier3A_23)
    %mul3A_24 = arith.constant 640 : i32
    %mul3A_25 = arith.muli %arg1, %mul3A_24 : i32
    %mul3A_26 = arith.constant 640 : i32
    %mul3A_27 = arith.muli %arg1, %mul3A_26 : i32
    "tpu.region"() ({
      %run_scoped3A = tpu.sem_alloc : memref<!tpu.dma_semaphore, #tpu.memory_space<semaphore_mem>>
      %dma_start3A = tpu.memref_slice %arg3[%arg0, %mul3A_27] : memref<2x10240xf32, #tpu.memory_space<hbm>> -> memref<1x640xf32, #tpu.memory_space<hbm>>
      %dma_start3A_28 = tpu.memref_squeeze %dma_start3A : memref<1x640xf32, #tpu.memory_space<hbm>> -> memref<640xf32, #tpu.memory_space<hbm>>
      %dma_start3A_29 = tpu.memref_slice %arg4[%mul3A_25] : memref<10240xf32, #tpu.memory_space<vmem_shared>> -> memref<640xf32, #tpu.memory_space<vmem_shared>>
      tpu.enqueue_dma source(%dma_start3A_29 : memref<640xf32, #tpu.memory_space<vmem_shared>>) target(%dma_start3A_28 : memref<640xf32, #tpu.memory_space<hbm>>) target_semaphore(%run_scoped3A : memref<!tpu.dma_semaphore, #tpu.memory_space<semaphore_mem>>)
      %dma_wait3A = tpu.memref_slice %arg3[%arg0, %mul3A_27] : memref<2x10240xf32, #tpu.memory_space<hbm>> -> memref<1x640xf32, #tpu.memory_space<hbm>>
      %dma_wait3A_30 = tpu.memref_squeeze %dma_wait3A : memref<1x640xf32, #tpu.memory_space<hbm>> -> memref<640xf32, #tpu.memory_space<hbm>>
      %dma_wait3A_31 = tpu.memref_slice %arg4[%mul3A_25] : memref<10240xf32, #tpu.memory_space<vmem_shared>> -> memref<640xf32, #tpu.memory_space<vmem_shared>>
      tpu.wait_dma2 semaphore(%run_scoped3A : memref<!tpu.dma_semaphore, #tpu.memory_space<semaphore_mem>>) src(%dma_wait3A_31 : memref<640xf32, #tpu.memory_space<vmem_shared>>) dst(%dma_wait3A_30 : memref<640xf32, #tpu.memory_space<hbm>>)
      tpu.yield
    }) : () -> ()
    return
  }
}

#map = affine_map<(d0, d1) -> (0, 0)>
#map1 = affine_map<(d0, d1) -> (0, 0, 0)>
module attributes {stable_mosaic.version = 14 : i64} {
  func.func @_sc_agg(%arg0: i32, %arg1: i32, %arg2: memref<10240x128xf32, #tpu.memory_space<hbm>>, %arg3: memref<32x79x128xi32, #tpu.memory_space<hbm>>, %arg4: memref<32x79x128xi32, #tpu.memory_space<hbm>>, %arg5: memref<2x10240x128xf32, #tpu.memory_space<hbm>>, %arg6: memref<10240x128xf32, #tpu.memory_space<vmem_shared>>, %arg7: memref<79x128xi32, #tpu.memory_space<vmem>>, %arg8: memref<79x128xi32, #tpu.memory_space<vmem>>, %arg9: memref<128x128xf32, #tpu.memory_space<vmem>>, %arg10: memref<!tpu.dma_semaphore, #tpu.memory_space<semaphore_mem>>) attributes {dimension_semantics = [#tpu.dimension_semantics<core_parallel>, #tpu.dimension_semantics<subcore_parallel>], iteration_bounds = array<i64: 2, 16>, scalar_prefetch = 0 : i64, scratch_operands = 5 : i64, tpu.core_type = #tpu.core_type<sc_vector_subcore>, window_params = [{transform_indices = #map}, {transform_indices = #map1}, {transform_indices = #map1}, {transform_indices = #map1}]} {
    %mul3A = arith.constant 2 : i32
    %mul3A_0 = arith.muli %arg1, %mul3A : i32
    %add3A = arith.addi %mul3A_0, %arg0 : i32
    %scan3A = arith.constant 0 : i32
    %scan3A_1 = arith.constant 0 : i32
    %scan3A_2 = arith.constant 128 : i32
    %scan3A_3 = arith.addi %scan3A_1, %scan3A_2 : i32
    %scan3A_4 = arith.constant 1 : i32
    %scan3A_5 = scf.for %scan3A_29 = %scan3A_1 to %scan3A_3 step %scan3A_4 iter_args(%scan3A_30 = %scan3A) -> (i32)  : i32 {
      %broadcast_in_dim3A = arith.constant 0.000000e+00 : f32
      %broadcast_in_dim3A_31 = vector.broadcast %broadcast_in_dim3A : f32 to vector<16xf32>
      %swap3A = arith.index_cast %scan3A_29 : i32 to index
      %swap3A_32 = arith.constant 0 : index
      %swap3A_33 = tpu.vector_load %arg9[%swap3A, %swap3A_32] {strides = array<i32>} : memref<128x128xf32, #tpu.memory_space<vmem>>, vector<1x16xf32>,
      %swap3A_34 = vector.shape_cast %swap3A_33 : vector<1x16xf32> to vector<16xf32>
      %swap3A_35 = vector.shape_cast %broadcast_in_dim3A_31 : vector<16xf32> to vector<1x16xf32>
      tpu.vector_store %arg9[%swap3A, %swap3A_32], %swap3A_35 {strides = array<i32>} : memref<128x128xf32, #tpu.memory_space<vmem>>, vector<1x16xf32>,
      %broadcast_in_dim3A_36 = arith.constant 0.000000e+00 : f32
      %broadcast_in_dim3A_37 = vector.broadcast %broadcast_in_dim3A_36 : f32 to vector<16xf32>
      %swap3A_38 = arith.index_cast %scan3A_29 : i32 to index
      %swap3A_39 = arith.constant 16 : index
      %swap3A_40 = tpu.vector_load %arg9[%swap3A_38, %swap3A_39] {strides = array<i32>} : memref<128x128xf32, #tpu.memory_space<vmem>>, vector<1x16xf32>,
      %swap3A_41 = vector.shape_cast %swap3A_40 : vector<1x16xf32> to vector<16xf32>
      %swap3A_42 = vector.shape_cast %broadcast_in_dim3A_37 : vector<16xf32> to vector<1x16xf32>
      tpu.vector_store %arg9[%swap3A_38, %swap3A_39], %swap3A_42 {strides = array<i32>} : memref<128x128xf32, #tpu.memory_space<vmem>>, vector<1x16xf32>,
      %broadcast_in_dim3A_43 = arith.constant 0.000000e+00 : f32
      %broadcast_in_dim3A_44 = vector.broadcast %broadcast_in_dim3A_43 : f32 to vector<16xf32>
      %swap3A_45 = arith.index_cast %scan3A_29 : i32 to index
      %swap3A_46 = arith.constant 32 : index
      %swap3A_47 = tpu.vector_load %arg9[%swap3A_45, %swap3A_46] {strides = array<i32>} : memref<128x128xf32, #tpu.memory_space<vmem>>, vector<1x16xf32>,
      %swap3A_48 = vector.shape_cast %swap3A_47 : vector<1x16xf32> to vector<16xf32>
      %swap3A_49 = vector.shape_cast %broadcast_in_dim3A_44 : vector<16xf32> to vector<1x16xf32>
      tpu.vector_store %arg9[%swap3A_45, %swap3A_46], %swap3A_49 {strides = array<i32>} : memref<128x128xf32, #tpu.memory_space<vmem>>, vector<1x16xf32>,
      %broadcast_in_dim3A_50 = arith.constant 0.000000e+00 : f32
      %broadcast_in_dim3A_51 = vector.broadcast %broadcast_in_dim3A_50 : f32 to vector<16xf32>
      %swap3A_52 = arith.index_cast %scan3A_29 : i32 to index
      %swap3A_53 = arith.constant 48 : index
      %swap3A_54 = tpu.vector_load %arg9[%swap3A_52, %swap3A_53] {strides = array<i32>} : memref<128x128xf32, #tpu.memory_space<vmem>>, vector<1x16xf32>,
      %swap3A_55 = vector.shape_cast %swap3A_54 : vector<1x16xf32> to vector<16xf32>
      %swap3A_56 = vector.shape_cast %broadcast_in_dim3A_51 : vector<16xf32> to vector<1x16xf32>
      tpu.vector_store %arg9[%swap3A_52, %swap3A_53], %swap3A_56 {strides = array<i32>} : memref<128x128xf32, #tpu.memory_space<vmem>>, vector<1x16xf32>,
      %broadcast_in_dim3A_57 = arith.constant 0.000000e+00 : f32
      %broadcast_in_dim3A_58 = vector.broadcast %broadcast_in_dim3A_57 : f32 to vector<16xf32>
      %swap3A_59 = arith.index_cast %scan3A_29 : i32 to index
      %swap3A_60 = arith.constant 64 : index
      %swap3A_61 = tpu.vector_load %arg9[%swap3A_59, %swap3A_60] {strides = array<i32>} : memref<128x128xf32, #tpu.memory_space<vmem>>, vector<1x16xf32>,
      %swap3A_62 = vector.shape_cast %swap3A_61 : vector<1x16xf32> to vector<16xf32>
      %swap3A_63 = vector.shape_cast %broadcast_in_dim3A_58 : vector<16xf32> to vector<1x16xf32>
      tpu.vector_store %arg9[%swap3A_59, %swap3A_60], %swap3A_63 {strides = array<i32>} : memref<128x128xf32, #tpu.memory_space<vmem>>, vector<1x16xf32>,
      %broadcast_in_dim3A_64 = arith.constant 0.000000e+00 : f32
      %broadcast_in_dim3A_65 = vector.broadcast %broadcast_in_dim3A_64 : f32 to vector<16xf32>
      %swap3A_66 = arith.index_cast %scan3A_29 : i32 to index
      %swap3A_67 = arith.constant 80 : index
      %swap3A_68 = tpu.vector_load %arg9[%swap3A_66, %swap3A_67] {strides = array<i32>} : memref<128x128xf32, #tpu.memory_space<vmem>>, vector<1x16xf32>,
      %swap3A_69 = vector.shape_cast %swap3A_68 : vector<1x16xf32> to vector<16xf32>
      %swap3A_70 = vector.shape_cast %broadcast_in_dim3A_65 : vector<16xf32> to vector<1x16xf32>
      tpu.vector_store %arg9[%swap3A_66, %swap3A_67], %swap3A_70 {strides = array<i32>} : memref<128x128xf32, #tpu.memory_space<vmem>>, vector<1x16xf32>,
      %broadcast_in_dim3A_71 = arith.constant 0.000000e+00 : f32
      %broadcast_in_dim3A_72 = vector.broadcast %broadcast_in_dim3A_71 : f32 to vector<16xf32>
      %swap3A_73 = arith.index_cast %scan3A_29 : i32 to index
      %swap3A_74 = arith.constant 96 : index
      %swap3A_75 = tpu.vector_load %arg9[%swap3A_73, %swap3A_74] {strides = array<i32>} : memref<128x128xf32, #tpu.memory_space<vmem>>, vector<1x16xf32>,
      %swap3A_76 = vector.shape_cast %swap3A_75 : vector<1x16xf32> to vector<16xf32>
      %swap3A_77 = vector.shape_cast %broadcast_in_dim3A_72 : vector<16xf32> to vector<1x16xf32>
      tpu.vector_store %arg9[%swap3A_73, %swap3A_74], %swap3A_77 {strides = array<i32>} : memref<128x128xf32, #tpu.memory_space<vmem>>, vector<1x16xf32>,
      %broadcast_in_dim3A_78 = arith.constant 0.000000e+00 : f32
      %broadcast_in_dim3A_79 = vector.broadcast %broadcast_in_dim3A_78 : f32 to vector<16xf32>
      %swap3A_80 = arith.index_cast %scan3A_29 : i32 to index
      %swap3A_81 = arith.constant 112 : index
      %swap3A_82 = tpu.vector_load %arg9[%swap3A_80, %swap3A_81] {strides = array<i32>} : memref<128x128xf32, #tpu.memory_space<vmem>>, vector<1x16xf32>,
      %swap3A_83 = vector.shape_cast %swap3A_82 : vector<1x16xf32> to vector<16xf32>
      %swap3A_84 = vector.shape_cast %broadcast_in_dim3A_79 : vector<16xf32> to vector<1x16xf32>
      tpu.vector_store %arg9[%swap3A_80, %swap3A_81], %swap3A_84 {strides = array<i32>} : memref<128x128xf32, #tpu.memory_space<vmem>>, vector<1x16xf32>,
      %scan3A_85 = arith.constant 0 : i32
      scf.yield %scan3A_85 : i32
    }
    %scan3A_6 = arith.constant 128 : i32
    %scan3A_7 = arith.constant 0 : i32
    %scan3A_8 = arith.constant 0 : i32
    %scan3A_9 = arith.constant 5 : i32
    %scan3A_10 = arith.addi %scan3A_8, %scan3A_9 : i32
    %scan3A_11 = arith.constant 1 : i32
    %scan3A_12 = scf.for %scan3A_29 = %scan3A_8 to %scan3A_10 step %scan3A_11 iter_args(%scan3A_30 = %scan3A_7) -> (i32)  : i32 {
      %mul3A_31 = arith.constant 640 : i32
      %mul3A_32 = arith.muli %arg1, %mul3A_31 : i32
      %mul3A_33 = arith.constant 128 : i32
      %mul3A_34 = arith.muli %scan3A_29, %mul3A_33 : i32
      %add3A_35 = arith.addi %mul3A_32, %mul3A_34 : i32
      "tpu.region"() ({
        %run_scoped3A = tpu.sem_alloc : memref<!tpu.dma_semaphore, #tpu.memory_space<semaphore_mem>>
        %dma_start3A = arith.constant 0 : i32
        %dma_start3A_37 = tpu.memref_slice %arg6[%add3A_35, %dma_start3A] : memref<10240x128xf32, #tpu.memory_space<vmem_shared>> -> memref<128x128xf32, #tpu.memory_space<vmem_shared>>
        %dma_start3A_38 = arith.constant 0 : i32
        %dma_start3A_39 = tpu.memref_slice %arg6[%add3A_35, %dma_start3A_38] : memref<10240x128xf32, #tpu.memory_space<vmem_shared>> -> memref<128x128xf32, #tpu.memory_space<vmem_shared>>
        tpu.enqueue_dma source(%arg9 : memref<128x128xf32, #tpu.memory_space<vmem>>) target(%dma_start3A_39 : memref<128x128xf32, #tpu.memory_space<vmem_shared>>) target_semaphore(%run_scoped3A : memref<!tpu.dma_semaphore, #tpu.memory_space<semaphore_mem>>)
        %dma_wait3A = arith.constant 0 : i32
        %dma_wait3A_40 = tpu.memref_slice %arg6[%add3A_35, %dma_wait3A] : memref<10240x128xf32, #tpu.memory_space<vmem_shared>> -> memref<128x128xf32, #tpu.memory_space<vmem_shared>>
        %dma_wait3A_41 = arith.constant 0 : i32
        %dma_wait3A_42 = tpu.memref_slice %arg6[%add3A_35, %dma_wait3A_41] : memref<10240x128xf32, #tpu.memory_space<vmem_shared>> -> memref<128x128xf32, #tpu.memory_space<vmem_shared>>
        tpu.wait_dma2 semaphore(%run_scoped3A : memref<!tpu.dma_semaphore, #tpu.memory_space<semaphore_mem>>) src(%arg9 : memref<128x128xf32, #tpu.memory_space<vmem>>) dst(%dma_wait3A_42 : memref<128x128xf32, #tpu.memory_space<vmem_shared>>)
        tpu.yield
      }) : () -> ()
      %scan3A_36 = arith.constant 0 : i32
      scf.yield %scan3A_36 : i32
    }
    %scan3A_13 = arith.constant 5 : i32
    %barrier3A = arith.constant 0 : index
    tpu.barrier barrier_id(%barrier3A)
    "tpu.region"() ({
      %run_scoped3A = tpu.sem_alloc : memref<!tpu.dma_semaphore, #tpu.memory_space<semaphore_mem>>
      %dma_start3A = arith.constant 0 : i32
      %dma_start3A_29 = arith.constant 0 : i32
      %dma_start3A_30 = tpu.memref_slice %arg3[%add3A, %dma_start3A, %dma_start3A_29] : memref<32x79x128xi32, #tpu.memory_space<hbm>> -> memref<1x79x128xi32, #tpu.memory_space<hbm>>
      %dma_start3A_31 = tpu.memref_squeeze %dma_start3A_30 : memref<1x79x128xi32, #tpu.memory_space<hbm>> -> memref<79x128xi32, #tpu.memory_space<hbm>>
      %dma_start3A_32 = arith.constant 0 : i32
      %dma_start3A_33 = arith.constant 0 : i32
      %dma_start3A_34 = tpu.memref_slice %arg3[%add3A, %dma_start3A_32, %dma_start3A_33] : memref<32x79x128xi32, #tpu.memory_space<hbm>> -> memref<1x79x128xi32, #tpu.memory_space<hbm>>
      %dma_start3A_35 = tpu.memref_squeeze %dma_start3A_34 : memref<1x79x128xi32, #tpu.memory_space<hbm>> -> memref<79x128xi32, #tpu.memory_space<hbm>>
      tpu.enqueue_dma source(%dma_start3A_35 : memref<79x128xi32, #tpu.memory_space<hbm>>) target(%arg7 : memref<79x128xi32, #tpu.memory_space<vmem>>) target_semaphore(%run_scoped3A : memref<!tpu.dma_semaphore, #tpu.memory_space<semaphore_mem>>)
      %dma_wait3A = arith.constant 0 : i32
      %dma_wait3A_36 = arith.constant 0 : i32
      %dma_wait3A_37 = tpu.memref_slice %arg3[%add3A, %dma_wait3A, %dma_wait3A_36] : memref<32x79x128xi32, #tpu.memory_space<hbm>> -> memref<1x79x128xi32, #tpu.memory_space<hbm>>
      %dma_wait3A_38 = tpu.memref_squeeze %dma_wait3A_37 : memref<1x79x128xi32, #tpu.memory_space<hbm>> -> memref<79x128xi32, #tpu.memory_space<hbm>>
      %dma_wait3A_39 = arith.constant 0 : i32
      %dma_wait3A_40 = arith.constant 0 : i32
      %dma_wait3A_41 = tpu.memref_slice %arg3[%add3A, %dma_wait3A_39, %dma_wait3A_40] : memref<32x79x128xi32, #tpu.memory_space<hbm>> -> memref<1x79x128xi32, #tpu.memory_space<hbm>>
      %dma_wait3A_42 = tpu.memref_squeeze %dma_wait3A_41 : memref<1x79x128xi32, #tpu.memory_space<hbm>> -> memref<79x128xi32, #tpu.memory_space<hbm>>
      tpu.wait_dma2 semaphore(%run_scoped3A : memref<!tpu.dma_semaphore, #tpu.memory_space<semaphore_mem>>) src(%dma_wait3A_42 : memref<79x128xi32, #tpu.memory_space<hbm>>) dst(%arg7 : memref<79x128xi32, #tpu.memory_space<vmem>>)
      tpu.yield
    }) : () -> ()
    "tpu.region"() ({
      %run_scoped3A = tpu.sem_alloc : memref<!tpu.dma_semaphore, #tpu.memory_space<semaphore_mem>>
      %dma_start3A = arith.constant 0 : i32
      %dma_start3A_29 = arith.constant 0 : i32
      %dma_start3A_30 = tpu.memref_slice %arg4[%add3A, %dma_start3A, %dma_start3A_29] : memref<32x79x128xi32, #tpu.memory_space<hbm>> -> memref<1x79x128xi32, #tpu.memory_space<hbm>>
      %dma_start3A_31 = tpu.memref_squeeze %dma_start3A_30 : memref<1x79x128xi32, #tpu.memory_space<hbm>> -> memref<79x128xi32, #tpu.memory_space<hbm>>
      %dma_start3A_32 = arith.constant 0 : i32
      %dma_start3A_33 = arith.constant 0 : i32
      %dma_start3A_34 = tpu.memref_slice %arg4[%add3A, %dma_start3A_32, %dma_start3A_33] : memref<32x79x128xi32, #tpu.memory_space<hbm>> -> memref<1x79x128xi32, #tpu.memory_space<hbm>>
      %dma_start3A_35 = tpu.memref_squeeze %dma_start3A_34 : memref<1x79x128xi32, #tpu.memory_space<hbm>> -> memref<79x128xi32, #tpu.memory_space<hbm>>
      tpu.enqueue_dma source(%dma_start3A_35 : memref<79x128xi32, #tpu.memory_space<hbm>>) target(%arg8 : memref<79x128xi32, #tpu.memory_space<vmem>>) target_semaphore(%run_scoped3A : memref<!tpu.dma_semaphore, #tpu.memory_space<semaphore_mem>>)
      %dma_wait3A = arith.constant 0 : i32
      %dma_wait3A_36 = arith.constant 0 : i32
      %dma_wait3A_37 = tpu.memref_slice %arg4[%add3A, %dma_wait3A, %dma_wait3A_36] : memref<32x79x128xi32, #tpu.memory_space<hbm>> -> memref<1x79x128xi32, #tpu.memory_space<hbm>>
      %dma_wait3A_38 = tpu.memref_squeeze %dma_wait3A_37 : memref<1x79x128xi32, #tpu.memory_space<hbm>> -> memref<79x128xi32, #tpu.memory_space<hbm>>
      %dma_wait3A_39 = arith.constant 0 : i32
      %dma_wait3A_40 = arith.constant 0 : i32
      %dma_wait3A_41 = tpu.memref_slice %arg4[%add3A, %dma_wait3A_39, %dma_wait3A_40] : memref<32x79x128xi32, #tpu.memory_space<hbm>> -> memref<1x79x128xi32, #tpu.memory_space<hbm>>
      %dma_wait3A_42 = tpu.memref_squeeze %dma_wait3A_41 : memref<1x79x128xi32, #tpu.memory_space<hbm>> -> memref<79x128xi32, #tpu.memory_space<hbm>>
      tpu.wait_dma2 semaphore(%run_scoped3A : memref<!tpu.dma_semaphore, #tpu.memory_space<semaphore_mem>>) src(%dma_wait3A_42 : memref<79x128xi32, #tpu.memory_space<hbm>>) dst(%arg8 : memref<79x128xi32, #tpu.memory_space<vmem>>)
      tpu.yield
    }) : () -> ()
    %scan3A_14 = arith.constant 0 : i32
    %scan3A_15 = arith.constant 0 : i32
    %scan3A_16 = arith.constant 79 : i32
    %scan3A_17 = arith.addi %scan3A_15, %scan3A_16 : i32
    %scan3A_18 = arith.constant 1 : i32
    %scan3A_19 = scf.for %scan3A_29 = %scan3A_15 to %scan3A_17 step %scan3A_18 iter_args(%scan3A_30 = %scan3A_14) -> (i32)  : i32 {
      %dma_start3A = arith.constant 0 : i32
      %dma_start3A_31 = tpu.memref_slice %arg7[%scan3A_29, %dma_start3A] : memref<79x128xi32, #tpu.memory_space<vmem>> -> memref<1x128xi32, #tpu.memory_space<vmem>>
      %dma_start3A_32 = tpu.memref_squeeze %dma_start3A_31 : memref<1x128xi32, #tpu.memory_space<vmem>> -> memref<128xi32, #tpu.memory_space<vmem>>
      %dma_start3A_33 = arith.constant 0 : i32
      %dma_start3A_34 = arith.constant 0 : i32
      %dma_start3A_35 = tpu.memref_slice %arg2[%dma_start3A_33, %dma_start3A_34] : memref<10240x128xf32, #tpu.memory_space<hbm>> -> memref<10240x128xf32, #tpu.memory_space<hbm>>
      tpu.enqueue_indirect_dma source(%dma_start3A_35 : memref<10240x128xf32, #tpu.memory_space<hbm>>) target(%arg9 : memref<128x128xf32, #tpu.memory_space<vmem>>) offsets(%dma_start3A_32 : memref<128xi32, #tpu.memory_space<vmem>>) semaphore(%arg10 : memref<!tpu.dma_semaphore, #tpu.memory_space<semaphore_mem>>)
      %dma_wait3A = arith.constant 0 : i32
      %dma_wait3A_36 = tpu.memref_slice %arg7[%scan3A_29, %dma_wait3A] : memref<79x128xi32, #tpu.memory_space<vmem>> -> memref<1x128xi32, #tpu.memory_space<vmem>>
      %dma_wait3A_37 = tpu.memref_squeeze %dma_wait3A_36 : memref<1x128xi32, #tpu.memory_space<vmem>> -> memref<128xi32, #tpu.memory_space<vmem>>
      %dma_wait3A_38 = arith.constant 0 : i32
      %dma_wait3A_39 = arith.constant 0 : i32
      %dma_wait3A_40 = tpu.memref_slice %arg2[%dma_wait3A_38, %dma_wait3A_39] : memref<10240x128xf32, #tpu.memory_space<hbm>> -> memref<10240x128xf32, #tpu.memory_space<hbm>>
      tpu.wait_indirect_dma semaphore(%arg10 : memref<!tpu.dma_semaphore, #tpu.memory_space<semaphore_mem>>) src(%dma_wait3A_40 : memref<10240x128xf32, #tpu.memory_space<hbm>>) dst(%arg9 : memref<128x128xf32, #tpu.memory_space<vmem>>)
      "tpu.region"() ({
        %run_scoped3A = tpu.sem_alloc : memref<!tpu.dma_semaphore, #tpu.memory_space<semaphore_mem>>
        %dma_start3A_42 = arith.constant 0 : i32
        %dma_start3A_43 = tpu.memref_slice %arg8[%scan3A_29, %dma_start3A_42] : memref<79x128xi32, #tpu.memory_space<vmem>> -> memref<1x128xi32, #tpu.memory_space<vmem>>
        %dma_start3A_44 = tpu.memref_squeeze %dma_start3A_43 : memref<1x128xi32, #tpu.memory_space<vmem>> -> memref<128xi32, #tpu.memory_space<vmem>>
        %dma_start3A_45 = arith.constant 0 : i32
        %dma_start3A_46 = arith.constant 0 : i32
        %dma_start3A_47 = tpu.memref_slice %arg6[%dma_start3A_45, %dma_start3A_46] : memref<10240x128xf32, #tpu.memory_space<vmem_shared>> -> memref<10240x128xf32, #tpu.memory_space<vmem_shared>>
        tpu.enqueue_indirect_dma source(%arg9 : memref<128x128xf32, #tpu.memory_space<vmem>>) target(%dma_start3A_47 : memref<10240x128xf32, #tpu.memory_space<vmem_shared>>) offsets(%dma_start3A_44 : memref<128xi32, #tpu.memory_space<vmem>>) semaphore(%run_scoped3A : memref<!tpu.dma_semaphore, #tpu.memory_space<semaphore_mem>>) {add = true}
        %dma_wait3A_48 = arith.constant 0 : i32
        %dma_wait3A_49 = tpu.memref_slice %arg8[%scan3A_29, %dma_wait3A_48] : memref<79x128xi32, #tpu.memory_space<vmem>> -> memref<1x128xi32, #tpu.memory_space<vmem>>
        %dma_wait3A_50 = tpu.memref_squeeze %dma_wait3A_49 : memref<1x128xi32, #tpu.memory_space<vmem>> -> memref<128xi32, #tpu.memory_space<vmem>>
        %dma_wait3A_51 = arith.constant 0 : i32
        %dma_wait3A_52 = arith.constant 0 : i32
        %dma_wait3A_53 = tpu.memref_slice %arg6[%dma_wait3A_51, %dma_wait3A_52] : memref<10240x128xf32, #tpu.memory_space<vmem_shared>> -> memref<10240x128xf32, #tpu.memory_space<vmem_shared>>
        tpu.wait_indirect_dma semaphore(%run_scoped3A : memref<!tpu.dma_semaphore, #tpu.memory_space<semaphore_mem>>) src(%arg9 : memref<128x128xf32, #tpu.memory_space<vmem>>) dst(%dma_wait3A_53 : memref<10240x128xf32, #tpu.memory_space<vmem_shared>>)
        tpu.yield
      }) : () -> ()
      %scan3A_41 = arith.constant 0 : i32
      scf.yield %scan3A_41 : i32
    }
    %scan3A_20 = arith.constant 79 : i32
    %barrier3A_21 = arith.constant 0 : index
    tpu.barrier barrier_id(%barrier3A_21)
    %scan3A_22 = arith.constant 0 : i32
    %scan3A_23 = arith.constant 0 : i32
    %scan3A_24 = arith.constant 5 : i32
    %scan3A_25 = arith.addi %scan3A_23, %scan3A_24 : i32
    %scan3A_26 = arith.constant 1 : i32
    %scan3A_27 = scf.for %scan3A_29 = %scan3A_23 to %scan3A_25 step %scan3A_26 iter_args(%scan3A_30 = %scan3A_22) -> (i32)  : i32 {
      %mul3A_31 = arith.constant 640 : i32
      %mul3A_32 = arith.muli %arg1, %mul3A_31 : i32
      %mul3A_33 = arith.constant 128 : i32
      %mul3A_34 = arith.muli %scan3A_29, %mul3A_33 : i32
      %add3A_35 = arith.addi %mul3A_32, %mul3A_34 : i32
      %mul3A_36 = arith.constant 640 : i32
      %mul3A_37 = arith.muli %arg1, %mul3A_36 : i32
      %mul3A_38 = arith.constant 128 : i32
      %mul3A_39 = arith.muli %scan3A_29, %mul3A_38 : i32
      %add3A_40 = arith.addi %mul3A_37, %mul3A_39 : i32
      "tpu.region"() ({
        %run_scoped3A = tpu.sem_alloc : memref<!tpu.dma_semaphore, #tpu.memory_space<semaphore_mem>>
        %dma_start3A = arith.constant 0 : i32
        %dma_start3A_42 = tpu.memref_slice %arg5[%arg0, %add3A_40, %dma_start3A] : memref<2x10240x128xf32, #tpu.memory_space<hbm>> -> memref<1x128x128xf32, #tpu.memory_space<hbm>>
        %dma_start3A_43 = tpu.memref_squeeze %dma_start3A_42 : memref<1x128x128xf32, #tpu.memory_space<hbm>> -> memref<128x128xf32, #tpu.memory_space<hbm>>
        %dma_start3A_44 = arith.constant 0 : i32
        %dma_start3A_45 = tpu.memref_slice %arg6[%add3A_35, %dma_start3A_44] : memref<10240x128xf32, #tpu.memory_space<vmem_shared>> -> memref<128x128xf32, #tpu.memory_space<vmem_shared>>
        tpu.enqueue_dma source(%dma_start3A_45 : memref<128x128xf32, #tpu.memory_space<vmem_shared>>) target(%dma_start3A_43 : memref<128x128xf32, #tpu.memory_space<hbm>>) target_semaphore(%run_scoped3A : memref<!tpu.dma_semaphore, #tpu.memory_space<semaphore_mem>>)
        %dma_wait3A = arith.constant 0 : i32
        %dma_wait3A_46 = tpu.memref_slice %arg5[%arg0, %add3A_40, %dma_wait3A] : memref<2x10240x128xf32, #tpu.memory_space<hbm>> -> memref<1x128x128xf32, #tpu.memory_space<hbm>>
        %dma_wait3A_47 = tpu.memref_squeeze %dma_wait3A_46 : memref<1x128x128xf32, #tpu.memory_space<hbm>> -> memref<128x128xf32, #tpu.memory_space<hbm>>
        %dma_wait3A_48 = arith.constant 0 : i32
        %dma_wait3A_49 = tpu.memref_slice %arg6[%add3A_35, %dma_wait3A_48] : memref<10240x128xf32, #tpu.memory_space<vmem_shared>> -> memref<128x128xf32, #tpu.memory_space<vmem_shared>>
        tpu.wait_dma2 semaphore(%run_scoped3A : memref<!tpu.dma_semaphore, #tpu.memory_space<semaphore_mem>>) src(%dma_wait3A_49 : memref<128x128xf32, #tpu.memory_space<vmem_shared>>) dst(%dma_wait3A_47 : memref<128x128xf32, #tpu.memory_space<hbm>>)
        tpu.yield
      }) : () -> ()
      %scan3A_41 = arith.constant 0 : i32
      scf.yield %scan3A_41 : i32
    }
    %scan3A_28 = arith.constant 5 : i32
    return
  }
}

#map = affine_map<(d0, d1) -> (0, 0)>
#map1 = affine_map<(d0, d1) -> (0, 0, 0)>
module attributes {stable_mosaic.version = 14 : i64} {
  func.func @_sc_agg(%arg0: i32, %arg1: i32, %arg2: memref<10240x128xf32, #tpu.memory_space<hbm>>, %arg3: memref<32x79x128xi32, #tpu.memory_space<hbm>>, %arg4: memref<32x79x128xi32, #tpu.memory_space<hbm>>, %arg5: memref<2x10240x128xf32, #tpu.memory_space<hbm>>, %arg6: memref<10240x128xf32, #tpu.memory_space<vmem_shared>>, %arg7: memref<79x128xi32, #tpu.memory_space<vmem>>, %arg8: memref<79x128xi32, #tpu.memory_space<vmem>>, %arg9: memref<128x128xf32, #tpu.memory_space<vmem>>, %arg10: memref<!tpu.dma_semaphore, #tpu.memory_space<semaphore_mem>>) attributes {dimension_semantics = [#tpu.dimension_semantics<core_parallel>, #tpu.dimension_semantics<subcore_parallel>], iteration_bounds = array<i64: 2, 16>, scalar_prefetch = 0 : i64, scratch_operands = 5 : i64, tpu.core_type = #tpu.core_type<sc_vector_subcore>, window_params = [{transform_indices = #map}, {transform_indices = #map1}, {transform_indices = #map1}, {transform_indices = #map1}]} {
    %mul3A = arith.constant 2 : i32
    %mul3A_0 = arith.muli %arg1, %mul3A : i32
    %add3A = arith.addi %mul3A_0, %arg0 : i32
    %scan3A = arith.constant 0 : i32
    %scan3A_1 = arith.constant 0 : i32
    %scan3A_2 = arith.constant 128 : i32
    %scan3A_3 = arith.addi %scan3A_1, %scan3A_2 : i32
    %scan3A_4 = arith.constant 1 : i32
    %scan3A_5 = scf.for %scan3A_29 = %scan3A_1 to %scan3A_3 step %scan3A_4 iter_args(%scan3A_30 = %scan3A) -> (i32)  : i32 {
      %broadcast_in_dim3A = arith.constant 0.000000e+00 : f32
      %broadcast_in_dim3A_31 = vector.broadcast %broadcast_in_dim3A : f32 to vector<16xf32>
      %swap3A = arith.index_cast %scan3A_29 : i32 to index
      %swap3A_32 = arith.constant 0 : index
      %swap3A_33 = tpu.vector_load %arg9[%swap3A, %swap3A_32] {strides = array<i32>} : memref<128x128xf32, #tpu.memory_space<vmem>>, vector<1x16xf32>,
      %swap3A_34 = vector.shape_cast %swap3A_33 : vector<1x16xf32> to vector<16xf32>
      %swap3A_35 = vector.shape_cast %broadcast_in_dim3A_31 : vector<16xf32> to vector<1x16xf32>
      tpu.vector_store %arg9[%swap3A, %swap3A_32], %swap3A_35 {strides = array<i32>} : memref<128x128xf32, #tpu.memory_space<vmem>>, vector<1x16xf32>,
      %broadcast_in_dim3A_36 = arith.constant 0.000000e+00 : f32
      %broadcast_in_dim3A_37 = vector.broadcast %broadcast_in_dim3A_36 : f32 to vector<16xf32>
      %swap3A_38 = arith.index_cast %scan3A_29 : i32 to index
      %swap3A_39 = arith.constant 16 : index
      %swap3A_40 = tpu.vector_load %arg9[%swap3A_38, %swap3A_39] {strides = array<i32>} : memref<128x128xf32, #tpu.memory_space<vmem>>, vector<1x16xf32>,
      %swap3A_41 = vector.shape_cast %swap3A_40 : vector<1x16xf32> to vector<16xf32>
      %swap3A_42 = vector.shape_cast %broadcast_in_dim3A_37 : vector<16xf32> to vector<1x16xf32>
      tpu.vector_store %arg9[%swap3A_38, %swap3A_39], %swap3A_42 {strides = array<i32>} : memref<128x128xf32, #tpu.memory_space<vmem>>, vector<1x16xf32>,
      %broadcast_in_dim3A_43 = arith.constant 0.000000e+00 : f32
      %broadcast_in_dim3A_44 = vector.broadcast %broadcast_in_dim3A_43 : f32 to vector<16xf32>
      %swap3A_45 = arith.index_cast %scan3A_29 : i32 to index
      %swap3A_46 = arith.constant 32 : index
      %swap3A_47 = tpu.vector_load %arg9[%swap3A_45, %swap3A_46] {strides = array<i32>} : memref<128x128xf32, #tpu.memory_space<vmem>>, vector<1x16xf32>,
      %swap3A_48 = vector.shape_cast %swap3A_47 : vector<1x16xf32> to vector<16xf32>
      %swap3A_49 = vector.shape_cast %broadcast_in_dim3A_44 : vector<16xf32> to vector<1x16xf32>
      tpu.vector_store %arg9[%swap3A_45, %swap3A_46], %swap3A_49 {strides = array<i32>} : memref<128x128xf32, #tpu.memory_space<vmem>>, vector<1x16xf32>,
      %broadcast_in_dim3A_50 = arith.constant 0.000000e+00 : f32
      %broadcast_in_dim3A_51 = vector.broadcast %broadcast_in_dim3A_50 : f32 to vector<16xf32>
      %swap3A_52 = arith.index_cast %scan3A_29 : i32 to index
      %swap3A_53 = arith.constant 48 : index
      %swap3A_54 = tpu.vector_load %arg9[%swap3A_52, %swap3A_53] {strides = array<i32>} : memref<128x128xf32, #tpu.memory_space<vmem>>, vector<1x16xf32>,
      %swap3A_55 = vector.shape_cast %swap3A_54 : vector<1x16xf32> to vector<16xf32>
      %swap3A_56 = vector.shape_cast %broadcast_in_dim3A_51 : vector<16xf32> to vector<1x16xf32>
      tpu.vector_store %arg9[%swap3A_52, %swap3A_53], %swap3A_56 {strides = array<i32>} : memref<128x128xf32, #tpu.memory_space<vmem>>, vector<1x16xf32>,
      %broadcast_in_dim3A_57 = arith.constant 0.000000e+00 : f32
      %broadcast_in_dim3A_58 = vector.broadcast %broadcast_in_dim3A_57 : f32 to vector<16xf32>
      %swap3A_59 = arith.index_cast %scan3A_29 : i32 to index
      %swap3A_60 = arith.constant 64 : index
      %swap3A_61 = tpu.vector_load %arg9[%swap3A_59, %swap3A_60] {strides = array<i32>} : memref<128x128xf32, #tpu.memory_space<vmem>>, vector<1x16xf32>,
      %swap3A_62 = vector.shape_cast %swap3A_61 : vector<1x16xf32> to vector<16xf32>
      %swap3A_63 = vector.shape_cast %broadcast_in_dim3A_58 : vector<16xf32> to vector<1x16xf32>
      tpu.vector_store %arg9[%swap3A_59, %swap3A_60], %swap3A_63 {strides = array<i32>} : memref<128x128xf32, #tpu.memory_space<vmem>>, vector<1x16xf32>,
      %broadcast_in_dim3A_64 = arith.constant 0.000000e+00 : f32
      %broadcast_in_dim3A_65 = vector.broadcast %broadcast_in_dim3A_64 : f32 to vector<16xf32>
      %swap3A_66 = arith.index_cast %scan3A_29 : i32 to index
      %swap3A_67 = arith.constant 80 : index
      %swap3A_68 = tpu.vector_load %arg9[%swap3A_66, %swap3A_67] {strides = array<i32>} : memref<128x128xf32, #tpu.memory_space<vmem>>, vector<1x16xf32>,
      %swap3A_69 = vector.shape_cast %swap3A_68 : vector<1x16xf32> to vector<16xf32>
      %swap3A_70 = vector.shape_cast %broadcast_in_dim3A_65 : vector<16xf32> to vector<1x16xf32>
      tpu.vector_store %arg9[%swap3A_66, %swap3A_67], %swap3A_70 {strides = array<i32>} : memref<128x128xf32, #tpu.memory_space<vmem>>, vector<1x16xf32>,
      %broadcast_in_dim3A_71 = arith.constant 0.000000e+00 : f32
      %broadcast_in_dim3A_72 = vector.broadcast %broadcast_in_dim3A_71 : f32 to vector<16xf32>
      %swap3A_73 = arith.index_cast %scan3A_29 : i32 to index
      %swap3A_74 = arith.constant 96 : index
      %swap3A_75 = tpu.vector_load %arg9[%swap3A_73, %swap3A_74] {strides = array<i32>} : memref<128x128xf32, #tpu.memory_space<vmem>>, vector<1x16xf32>,
      %swap3A_76 = vector.shape_cast %swap3A_75 : vector<1x16xf32> to vector<16xf32>
      %swap3A_77 = vector.shape_cast %broadcast_in_dim3A_72 : vector<16xf32> to vector<1x16xf32>
      tpu.vector_store %arg9[%swap3A_73, %swap3A_74], %swap3A_77 {strides = array<i32>} : memref<128x128xf32, #tpu.memory_space<vmem>>, vector<1x16xf32>,
      %broadcast_in_dim3A_78 = arith.constant 0.000000e+00 : f32
      %broadcast_in_dim3A_79 = vector.broadcast %broadcast_in_dim3A_78 : f32 to vector<16xf32>
      %swap3A_80 = arith.index_cast %scan3A_29 : i32 to index
      %swap3A_81 = arith.constant 112 : index
      %swap3A_82 = tpu.vector_load %arg9[%swap3A_80, %swap3A_81] {strides = array<i32>} : memref<128x128xf32, #tpu.memory_space<vmem>>, vector<1x16xf32>,
      %swap3A_83 = vector.shape_cast %swap3A_82 : vector<1x16xf32> to vector<16xf32>
      %swap3A_84 = vector.shape_cast %broadcast_in_dim3A_79 : vector<16xf32> to vector<1x16xf32>
      tpu.vector_store %arg9[%swap3A_80, %swap3A_81], %swap3A_84 {strides = array<i32>} : memref<128x128xf32, #tpu.memory_space<vmem>>, vector<1x16xf32>,
      %scan3A_85 = arith.constant 0 : i32
      scf.yield %scan3A_85 : i32
    }
    %scan3A_6 = arith.constant 128 : i32
    %scan3A_7 = arith.constant 0 : i32
    %scan3A_8 = arith.constant 0 : i32
    %scan3A_9 = arith.constant 5 : i32
    %scan3A_10 = arith.addi %scan3A_8, %scan3A_9 : i32
    %scan3A_11 = arith.constant 1 : i32
    %scan3A_12 = scf.for %scan3A_29 = %scan3A_8 to %scan3A_10 step %scan3A_11 iter_args(%scan3A_30 = %scan3A_7) -> (i32)  : i32 {
      %mul3A_31 = arith.constant 640 : i32
      %mul3A_32 = arith.muli %arg1, %mul3A_31 : i32
      %mul3A_33 = arith.constant 128 : i32
      %mul3A_34 = arith.muli %scan3A_29, %mul3A_33 : i32
      %add3A_35 = arith.addi %mul3A_32, %mul3A_34 : i32
      "tpu.region"() ({
        %run_scoped3A = tpu.sem_alloc : memref<!tpu.dma_semaphore, #tpu.memory_space<semaphore_mem>>
        %dma_start3A = arith.constant 0 : i32
        %dma_start3A_37 = tpu.memref_slice %arg6[%add3A_35, %dma_start3A] : memref<10240x128xf32, #tpu.memory_space<vmem_shared>> -> memref<128x128xf32, #tpu.memory_space<vmem_shared>>
        %dma_start3A_38 = arith.constant 0 : i32
        %dma_start3A_39 = tpu.memref_slice %arg6[%add3A_35, %dma_start3A_38] : memref<10240x128xf32, #tpu.memory_space<vmem_shared>> -> memref<128x128xf32, #tpu.memory_space<vmem_shared>>
        tpu.enqueue_dma source(%arg9 : memref<128x128xf32, #tpu.memory_space<vmem>>) target(%dma_start3A_39 : memref<128x128xf32, #tpu.memory_space<vmem_shared>>) target_semaphore(%run_scoped3A : memref<!tpu.dma_semaphore, #tpu.memory_space<semaphore_mem>>)
        %dma_wait3A = arith.constant 0 : i32
        %dma_wait3A_40 = tpu.memref_slice %arg6[%add3A_35, %dma_wait3A] : memref<10240x128xf32, #tpu.memory_space<vmem_shared>> -> memref<128x128xf32, #tpu.memory_space<vmem_shared>>
        %dma_wait3A_41 = arith.constant 0 : i32
        %dma_wait3A_42 = tpu.memref_slice %arg6[%add3A_35, %dma_wait3A_41] : memref<10240x128xf32, #tpu.memory_space<vmem_shared>> -> memref<128x128xf32, #tpu.memory_space<vmem_shared>>
        tpu.wait_dma2 semaphore(%run_scoped3A : memref<!tpu.dma_semaphore, #tpu.memory_space<semaphore_mem>>) src(%arg9 : memref<128x128xf32, #tpu.memory_space<vmem>>) dst(%dma_wait3A_42 : memref<128x128xf32, #tpu.memory_space<vmem_shared>>)
        tpu.yield
      }) : () -> ()
      %scan3A_36 = arith.constant 0 : i32
      scf.yield %scan3A_36 : i32
    }
    %scan3A_13 = arith.constant 5 : i32
    %barrier3A = arith.constant 0 : index
    tpu.barrier barrier_id(%barrier3A)
    "tpu.region"() ({
      %run_scoped3A = tpu.sem_alloc : memref<!tpu.dma_semaphore, #tpu.memory_space<semaphore_mem>>
      %dma_start3A = arith.constant 0 : i32
      %dma_start3A_29 = arith.constant 0 : i32
      %dma_start3A_30 = tpu.memref_slice %arg3[%add3A, %dma_start3A, %dma_start3A_29] : memref<32x79x128xi32, #tpu.memory_space<hbm>> -> memref<1x79x128xi32, #tpu.memory_space<hbm>>
      %dma_start3A_31 = tpu.memref_squeeze %dma_start3A_30 : memref<1x79x128xi32, #tpu.memory_space<hbm>> -> memref<79x128xi32, #tpu.memory_space<hbm>>
      %dma_start3A_32 = arith.constant 0 : i32
      %dma_start3A_33 = arith.constant 0 : i32
      %dma_start3A_34 = tpu.memref_slice %arg3[%add3A, %dma_start3A_32, %dma_start3A_33] : memref<32x79x128xi32, #tpu.memory_space<hbm>> -> memref<1x79x128xi32, #tpu.memory_space<hbm>>
      %dma_start3A_35 = tpu.memref_squeeze %dma_start3A_34 : memref<1x79x128xi32, #tpu.memory_space<hbm>> -> memref<79x128xi32, #tpu.memory_space<hbm>>
      tpu.enqueue_dma source(%dma_start3A_35 : memref<79x128xi32, #tpu.memory_space<hbm>>) target(%arg7 : memref<79x128xi32, #tpu.memory_space<vmem>>) target_semaphore(%run_scoped3A : memref<!tpu.dma_semaphore, #tpu.memory_space<semaphore_mem>>)
      %dma_wait3A = arith.constant 0 : i32
      %dma_wait3A_36 = arith.constant 0 : i32
      %dma_wait3A_37 = tpu.memref_slice %arg3[%add3A, %dma_wait3A, %dma_wait3A_36] : memref<32x79x128xi32, #tpu.memory_space<hbm>> -> memref<1x79x128xi32, #tpu.memory_space<hbm>>
      %dma_wait3A_38 = tpu.memref_squeeze %dma_wait3A_37 : memref<1x79x128xi32, #tpu.memory_space<hbm>> -> memref<79x128xi32, #tpu.memory_space<hbm>>
      %dma_wait3A_39 = arith.constant 0 : i32
      %dma_wait3A_40 = arith.constant 0 : i32
      %dma_wait3A_41 = tpu.memref_slice %arg3[%add3A, %dma_wait3A_39, %dma_wait3A_40] : memref<32x79x128xi32, #tpu.memory_space<hbm>> -> memref<1x79x128xi32, #tpu.memory_space<hbm>>
      %dma_wait3A_42 = tpu.memref_squeeze %dma_wait3A_41 : memref<1x79x128xi32, #tpu.memory_space<hbm>> -> memref<79x128xi32, #tpu.memory_space<hbm>>
      tpu.wait_dma2 semaphore(%run_scoped3A : memref<!tpu.dma_semaphore, #tpu.memory_space<semaphore_mem>>) src(%dma_wait3A_42 : memref<79x128xi32, #tpu.memory_space<hbm>>) dst(%arg7 : memref<79x128xi32, #tpu.memory_space<vmem>>)
      tpu.yield
    }) : () -> ()
    "tpu.region"() ({
      %run_scoped3A = tpu.sem_alloc : memref<!tpu.dma_semaphore, #tpu.memory_space<semaphore_mem>>
      %dma_start3A = arith.constant 0 : i32
      %dma_start3A_29 = arith.constant 0 : i32
      %dma_start3A_30 = tpu.memref_slice %arg4[%add3A, %dma_start3A, %dma_start3A_29] : memref<32x79x128xi32, #tpu.memory_space<hbm>> -> memref<1x79x128xi32, #tpu.memory_space<hbm>>
      %dma_start3A_31 = tpu.memref_squeeze %dma_start3A_30 : memref<1x79x128xi32, #tpu.memory_space<hbm>> -> memref<79x128xi32, #tpu.memory_space<hbm>>
      %dma_start3A_32 = arith.constant 0 : i32
      %dma_start3A_33 = arith.constant 0 : i32
      %dma_start3A_34 = tpu.memref_slice %arg4[%add3A, %dma_start3A_32, %dma_start3A_33] : memref<32x79x128xi32, #tpu.memory_space<hbm>> -> memref<1x79x128xi32, #tpu.memory_space<hbm>>
      %dma_start3A_35 = tpu.memref_squeeze %dma_start3A_34 : memref<1x79x128xi32, #tpu.memory_space<hbm>> -> memref<79x128xi32, #tpu.memory_space<hbm>>
      tpu.enqueue_dma source(%dma_start3A_35 : memref<79x128xi32, #tpu.memory_space<hbm>>) target(%arg8 : memref<79x128xi32, #tpu.memory_space<vmem>>) target_semaphore(%run_scoped3A : memref<!tpu.dma_semaphore, #tpu.memory_space<semaphore_mem>>)
      %dma_wait3A = arith.constant 0 : i32
      %dma_wait3A_36 = arith.constant 0 : i32
      %dma_wait3A_37 = tpu.memref_slice %arg4[%add3A, %dma_wait3A, %dma_wait3A_36] : memref<32x79x128xi32, #tpu.memory_space<hbm>> -> memref<1x79x128xi32, #tpu.memory_space<hbm>>
      %dma_wait3A_38 = tpu.memref_squeeze %dma_wait3A_37 : memref<1x79x128xi32, #tpu.memory_space<hbm>> -> memref<79x128xi32, #tpu.memory_space<hbm>>
      %dma_wait3A_39 = arith.constant 0 : i32
      %dma_wait3A_40 = arith.constant 0 : i32
      %dma_wait3A_41 = tpu.memref_slice %arg4[%add3A, %dma_wait3A_39, %dma_wait3A_40] : memref<32x79x128xi32, #tpu.memory_space<hbm>> -> memref<1x79x128xi32, #tpu.memory_space<hbm>>
      %dma_wait3A_42 = tpu.memref_squeeze %dma_wait3A_41 : memref<1x79x128xi32, #tpu.memory_space<hbm>> -> memref<79x128xi32, #tpu.memory_space<hbm>>
      tpu.wait_dma2 semaphore(%run_scoped3A : memref<!tpu.dma_semaphore, #tpu.memory_space<semaphore_mem>>) src(%dma_wait3A_42 : memref<79x128xi32, #tpu.memory_space<hbm>>) dst(%arg8 : memref<79x128xi32, #tpu.memory_space<vmem>>)
      tpu.yield
    }) : () -> ()
    %scan3A_14 = arith.constant 0 : i32
    %scan3A_15 = arith.constant 0 : i32
    %scan3A_16 = arith.constant 79 : i32
    %scan3A_17 = arith.addi %scan3A_15, %scan3A_16 : i32
    %scan3A_18 = arith.constant 1 : i32
    %scan3A_19 = scf.for %scan3A_29 = %scan3A_15 to %scan3A_17 step %scan3A_18 iter_args(%scan3A_30 = %scan3A_14) -> (i32)  : i32 {
      %dma_start3A = arith.constant 0 : i32
      %dma_start3A_31 = tpu.memref_slice %arg7[%scan3A_29, %dma_start3A] : memref<79x128xi32, #tpu.memory_space<vmem>> -> memref<1x128xi32, #tpu.memory_space<vmem>>
      %dma_start3A_32 = tpu.memref_squeeze %dma_start3A_31 : memref<1x128xi32, #tpu.memory_space<vmem>> -> memref<128xi32, #tpu.memory_space<vmem>>
      %dma_start3A_33 = arith.constant 0 : i32
      %dma_start3A_34 = arith.constant 0 : i32
      %dma_start3A_35 = tpu.memref_slice %arg2[%dma_start3A_33, %dma_start3A_34] : memref<10240x128xf32, #tpu.memory_space<hbm>> -> memref<10240x128xf32, #tpu.memory_space<hbm>>
      tpu.enqueue_indirect_dma source(%dma_start3A_35 : memref<10240x128xf32, #tpu.memory_space<hbm>>) target(%arg9 : memref<128x128xf32, #tpu.memory_space<vmem>>) offsets(%dma_start3A_32 : memref<128xi32, #tpu.memory_space<vmem>>) semaphore(%arg10 : memref<!tpu.dma_semaphore, #tpu.memory_space<semaphore_mem>>)
      %dma_wait3A = arith.constant 0 : i32
      %dma_wait3A_36 = tpu.memref_slice %arg7[%scan3A_29, %dma_wait3A] : memref<79x128xi32, #tpu.memory_space<vmem>> -> memref<1x128xi32, #tpu.memory_space<vmem>>
      %dma_wait3A_37 = tpu.memref_squeeze %dma_wait3A_36 : memref<1x128xi32, #tpu.memory_space<vmem>> -> memref<128xi32, #tpu.memory_space<vmem>>
      %dma_wait3A_38 = arith.constant 0 : i32
      %dma_wait3A_39 = arith.constant 0 : i32
      %dma_wait3A_40 = tpu.memref_slice %arg2[%dma_wait3A_38, %dma_wait3A_39] : memref<10240x128xf32, #tpu.memory_space<hbm>> -> memref<10240x128xf32, #tpu.memory_space<hbm>>
      tpu.wait_indirect_dma semaphore(%arg10 : memref<!tpu.dma_semaphore, #tpu.memory_space<semaphore_mem>>) src(%dma_wait3A_40 : memref<10240x128xf32, #tpu.memory_space<hbm>>) dst(%arg9 : memref<128x128xf32, #tpu.memory_space<vmem>>)
      "tpu.region"() ({
        %run_scoped3A = tpu.sem_alloc : memref<!tpu.dma_semaphore, #tpu.memory_space<semaphore_mem>>
        %dma_start3A_42 = arith.constant 0 : i32
        %dma_start3A_43 = tpu.memref_slice %arg8[%scan3A_29, %dma_start3A_42] : memref<79x128xi32, #tpu.memory_space<vmem>> -> memref<1x128xi32, #tpu.memory_space<vmem>>
        %dma_start3A_44 = tpu.memref_squeeze %dma_start3A_43 : memref<1x128xi32, #tpu.memory_space<vmem>> -> memref<128xi32, #tpu.memory_space<vmem>>
        %dma_start3A_45 = arith.constant 0 : i32
        %dma_start3A_46 = arith.constant 0 : i32
        %dma_start3A_47 = tpu.memref_slice %arg6[%dma_start3A_45, %dma_start3A_46] : memref<10240x128xf32, #tpu.memory_space<vmem_shared>> -> memref<10240x128xf32, #tpu.memory_space<vmem_shared>>
        tpu.enqueue_indirect_dma source(%arg9 : memref<128x128xf32, #tpu.memory_space<vmem>>) target(%dma_start3A_47 : memref<10240x128xf32, #tpu.memory_space<vmem_shared>>) offsets(%dma_start3A_44 : memref<128xi32, #tpu.memory_space<vmem>>) semaphore(%run_scoped3A : memref<!tpu.dma_semaphore, #tpu.memory_space<semaphore_mem>>) {add = true}
        %dma_wait3A_48 = arith.constant 0 : i32
        %dma_wait3A_49 = tpu.memref_slice %arg8[%scan3A_29, %dma_wait3A_48] : memref<79x128xi32, #tpu.memory_space<vmem>> -> memref<1x128xi32, #tpu.memory_space<vmem>>
        %dma_wait3A_50 = tpu.memref_squeeze %dma_wait3A_49 : memref<1x128xi32, #tpu.memory_space<vmem>> -> memref<128xi32, #tpu.memory_space<vmem>>
        %dma_wait3A_51 = arith.constant 0 : i32
        %dma_wait3A_52 = arith.constant 0 : i32
        %dma_wait3A_53 = tpu.memref_slice %arg6[%dma_wait3A_51, %dma_wait3A_52] : memref<10240x128xf32, #tpu.memory_space<vmem_shared>> -> memref<10240x128xf32, #tpu.memory_space<vmem_shared>>
        tpu.wait_indirect_dma semaphore(%run_scoped3A : memref<!tpu.dma_semaphore, #tpu.memory_space<semaphore_mem>>) src(%arg9 : memref<128x128xf32, #tpu.memory_space<vmem>>) dst(%dma_wait3A_53 : memref<10240x128xf32, #tpu.memory_space<vmem_shared>>)
        tpu.yield
      }) : () -> ()
      %scan3A_41 = arith.constant 0 : i32
      scf.yield %scan3A_41 : i32
    }
    %scan3A_20 = arith.constant 79 : i32
    %barrier3A_21 = arith.constant 0 : index
    tpu.barrier barrier_id(%barrier3A_21)
    %scan3A_22 = arith.constant 0 : i32
    %scan3A_23 = arith.constant 0 : i32
    %scan3A_24 = arith.constant 5 : i32
    %scan3A_25 = arith.addi %scan3A_23, %scan3A_24 : i32
    %scan3A_26 = arith.constant 1 : i32
    %scan3A_27 = scf.for %scan3A_29 = %scan3A_23 to %scan3A_25 step %scan3A_26 iter_args(%scan3A_30 = %scan3A_22) -> (i32)  : i32 {
      %mul3A_31 = arith.constant 640 : i32
      %mul3A_32 = arith.muli %arg1, %mul3A_31 : i32
      %mul3A_33 = arith.constant 128 : i32
      %mul3A_34 = arith.muli %scan3A_29, %mul3A_33 : i32
      %add3A_35 = arith.addi %mul3A_32, %mul3A_34 : i32
      %mul3A_36 = arith.constant 640 : i32
      %mul3A_37 = arith.muli %arg1, %mul3A_36 : i32
      %mul3A_38 = arith.constant 128 : i32
      %mul3A_39 = arith.muli %scan3A_29, %mul3A_38 : i32
      %add3A_40 = arith.addi %mul3A_37, %mul3A_39 : i32
      "tpu.region"() ({
        %run_scoped3A = tpu.sem_alloc : memref<!tpu.dma_semaphore, #tpu.memory_space<semaphore_mem>>
        %dma_start3A = arith.constant 0 : i32
        %dma_start3A_42 = tpu.memref_slice %arg5[%arg0, %add3A_40, %dma_start3A] : memref<2x10240x128xf32, #tpu.memory_space<hbm>> -> memref<1x128x128xf32, #tpu.memory_space<hbm>>
        %dma_start3A_43 = tpu.memref_squeeze %dma_start3A_42 : memref<1x128x128xf32, #tpu.memory_space<hbm>> -> memref<128x128xf32, #tpu.memory_space<hbm>>
        %dma_start3A_44 = arith.constant 0 : i32
        %dma_start3A_45 = tpu.memref_slice %arg6[%add3A_35, %dma_start3A_44] : memref<10240x128xf32, #tpu.memory_space<vmem_shared>> -> memref<128x128xf32, #tpu.memory_space<vmem_shared>>
        tpu.enqueue_dma source(%dma_start3A_45 : memref<128x128xf32, #tpu.memory_space<vmem_shared>>) target(%dma_start3A_43 : memref<128x128xf32, #tpu.memory_space<hbm>>) target_semaphore(%run_scoped3A : memref<!tpu.dma_semaphore, #tpu.memory_space<semaphore_mem>>)
        %dma_wait3A = arith.constant 0 : i32
        %dma_wait3A_46 = tpu.memref_slice %arg5[%arg0, %add3A_40, %dma_wait3A] : memref<2x10240x128xf32, #tpu.memory_space<hbm>> -> memref<1x128x128xf32, #tpu.memory_space<hbm>>
        %dma_wait3A_47 = tpu.memref_squeeze %dma_wait3A_46 : memref<1x128x128xf32, #tpu.memory_space<hbm>> -> memref<128x128xf32, #tpu.memory_space<hbm>>
        %dma_wait3A_48 = arith.constant 0 : i32
        %dma_wait3A_49 = tpu.memref_slice %arg6[%add3A_35, %dma_wait3A_48] : memref<10240x128xf32, #tpu.memory_space<vmem_shared>> -> memref<128x128xf32, #tpu.memory_space<vmem_shared>>
        tpu.wait_dma2 semaphore(%run_scoped3A : memref<!tpu.dma_semaphore, #tpu.memory_space<semaphore_mem>>) src(%dma_wait3A_49 : memref<128x128xf32, #tpu.memory_space<vmem_shared>>) dst(%dma_wait3A_47 : memref<128x128xf32, #tpu.memory_space<hbm>>)
        tpu.yield
      }) : () -> ()
      %scan3A_41 = arith.constant 0 : i32
      scf.yield %scan3A_41 : i32
    }
    %scan3A_28 = arith.constant 5 : i32
    return
  }
}

module attributes {stable_mosaic.version = 14 : i64} {
  func.func @_tc1_body(%arg0: i32, %arg1: memref<2x1024xf32, #tpu.memory_space<vmem>>, %arg2: memref<1024x128xf32, #tpu.memory_space<vmem>>, %arg3: memref<128x128xf32, #tpu.memory_space<vmem>>, %arg4: memref<1024x128xf32, #tpu.memory_space<vmem>>) attributes {dimension_semantics = [#tpu.dimension_semantics<arbitrary>], iteration_bounds = array<i64: 10>, scalar_prefetch = 0 : i64, scratch_operands = 0 : i64, tpu.core_type = #tpu.core_type<tc>, window_params = [{transform_indices = @transform_0, window_bounds = array<i64: 2, 1024>}, {transform_indices = @transform_1, window_bounds = array<i64: 1024, 128>}, {pipeline_mode = #tpu.pipeline_mode<synchronous>, transform_indices = @transform_2, window_bounds = array<i64: 128, 128>}, {transform_indices = @transform_3, window_bounds = array<i64: 1024, 128>}]} {
    %get3A = arith.constant 0 : index
    %get3A_0 = arith.constant 0 : index
    %get3A_1 = vector.load %arg1[%get3A, %get3A_0] : memref<2x1024xf32, #tpu.memory_space<vmem>>, vector<1x1024xf32>
    %get3A_2 = vector.shape_cast %get3A_1 : vector<1x1024xf32> to vector<1024xf32>
    %get3A_3 = arith.constant 1 : index
    %get3A_4 = arith.constant 0 : index
    %get3A_5 = vector.load %arg1[%get3A_3, %get3A_4] : memref<2x1024xf32, #tpu.memory_space<vmem>>, vector<1x1024xf32>
    %get3A_6 = vector.shape_cast %get3A_5 : vector<1x1024xf32> to vector<1024xf32>
    %add3A = arith.addf %get3A_2, %get3A_6 : vector<1024xf32>
    %add3A_7 = arith.constant 1.000000e+00 : f32
    %add3A_8 = vector.broadcast %add3A_7 : f32 to vector<1024xf32>
    %add3A_9 = arith.addf %add3A, %add3A_8 : vector<1024xf32>
    %rsqrt3A = math.rsqrt %add3A_9 : vector<1024xf32>
    %get3A_10 = arith.constant 0 : index
    %get3A_11 = arith.constant 0 : index
    %get3A_12 = vector.load %arg2[%get3A_10, %get3A_11] : memref<1024x128xf32, #tpu.memory_space<vmem>>, vector<1024x128xf32>
    %get3A_13 = arith.constant 0 : index
    %get3A_14 = arith.constant 0 : index
    %get3A_15 = vector.load %arg3[%get3A_13, %get3A_14] : memref<128x128xf32, #tpu.memory_space<vmem>>, vector<128x128xf32>
    %dot_general3A = arith.constant dense<0.000000e+00> : vector<1024x128xf32>
    %dot_general3A_16 = tpu.matmul %get3A_12, %get3A_15, %dot_general3A {dimension_numbers = #tpu.dot_dimension_numbers<[1], [0], [0], [1], [0, 0, 1, 1], [], []>, transpose_lhs_hint = false} : vector<1024x128xf32>, vector<128x128xf32>, vector<1024x128xf32> -> vector<1024x128xf32>
    %broadcast_in_dim3A = vector.shape_cast %rsqrt3A : vector<1024xf32> to vector<1024x1xf32>
    %mul3A = vector.broadcast %broadcast_in_dim3A : vector<1024x1xf32> to vector<1024x128xf32>
    %mul3A_17 = arith.mulf %dot_general3A_16, %mul3A : vector<1024x128xf32>
    %swap3A = arith.constant 0 : index
    %swap3A_18 = arith.constant 0 : index
    %swap3A_19 = vector.load %arg4[%swap3A, %swap3A_18] : memref<1024x128xf32, #tpu.memory_space<vmem>>, vector<1024x128xf32>
    tpu.vector_store %arg4[%swap3A, %swap3A_18], %mul3A_17 {strides = array<i32>} : memref<1024x128xf32, #tpu.memory_space<vmem>>, vector<1024x128xf32>,
    return
  }
  func.func @transform_0(%arg0: i32) -> (i32, i32) {
    %c0_i32 = arith.constant 0 : i32
    %c0_i32_0 = arith.constant 0 : i32
    return %c0_i32, %arg0 : i32, i32
  }
  func.func @transform_1(%arg0: i32) -> (i32, i32) {
    %c0_i32 = arith.constant 0 : i32
    %c0_i32_0 = arith.constant 0 : i32
    return %arg0, %c0_i32 : i32, i32
  }
  func.func @transform_2(%arg0: i32) -> (i32, i32) {
    %c0_i32 = arith.constant 0 : i32
    %c0_i32_0 = arith.constant 0 : i32
    %c0_i32_1 = arith.constant 0 : i32
    return %c0_i32, %c0_i32_0 : i32, i32
  }
  func.func @transform_3(%arg0: i32) -> (i32, i32) {
    %c0_i32 = arith.constant 0 : i32
    %c0_i32_0 = arith.constant 0 : i32
    return %arg0, %c0_i32 : i32, i32
  }
}

module attributes {stable_mosaic.version = 14 : i64} {
  func.func @_tc2_body(%arg0: i32, %arg1: memref<2x1024xf32, #tpu.memory_space<vmem>>, %arg2: memref<2x1024x128xf32, #tpu.memory_space<vmem>>, %arg3: memref<1024x128xf32, #tpu.memory_space<vmem>>, %arg4: memref<1x128xf32, #tpu.memory_space<vmem>>, %arg5: memref<128x128xf32, #tpu.memory_space<vmem>>, %arg6: memref<1024x128xf32, #tpu.memory_space<vmem>>, %arg7: memref<1024x128xf32, #tpu.memory_space<vmem>>) attributes {dimension_semantics = [#tpu.dimension_semantics<arbitrary>], iteration_bounds = array<i64: 10>, scalar_prefetch = 0 : i64, scratch_operands = 0 : i64, tpu.core_type = #tpu.core_type<tc>, window_params = [{transform_indices = @transform_0, window_bounds = array<i64: 2, 1024>}, {transform_indices = @transform_1, window_bounds = array<i64: 2, 1024, 128>}, {transform_indices = @transform_2, window_bounds = array<i64: 1024, 128>}, {pipeline_mode = #tpu.pipeline_mode<synchronous>, transform_indices = @transform_3, window_bounds = array<i64: 1, 128>}, {pipeline_mode = #tpu.pipeline_mode<synchronous>, transform_indices = @transform_4, window_bounds = array<i64: 128, 128>}, {transform_indices = @transform_5, window_bounds = array<i64: 1024, 128>}, {transform_indices = @transform_6, window_bounds = array<i64: 1024, 128>}]} {
    %get3A = arith.constant 0 : index
    %get3A_0 = arith.constant 0 : index
    %get3A_1 = vector.load %arg1[%get3A, %get3A_0] : memref<2x1024xf32, #tpu.memory_space<vmem>>, vector<1x1024xf32>
    %get3A_2 = vector.shape_cast %get3A_1 : vector<1x1024xf32> to vector<1024xf32>
    %get3A_3 = arith.constant 1 : index
    %get3A_4 = arith.constant 0 : index
    %get3A_5 = vector.load %arg1[%get3A_3, %get3A_4] : memref<2x1024xf32, #tpu.memory_space<vmem>>, vector<1x1024xf32>
    %get3A_6 = vector.shape_cast %get3A_5 : vector<1x1024xf32> to vector<1024xf32>
    %add3A = arith.addf %get3A_2, %get3A_6 : vector<1024xf32>
    %add3A_7 = arith.constant 1.000000e+00 : f32
    %add3A_8 = vector.broadcast %add3A_7 : f32 to vector<1024xf32>
    %add3A_9 = arith.addf %add3A, %add3A_8 : vector<1024xf32>
    %rsqrt3A = math.rsqrt %add3A_9 : vector<1024xf32>
    %broadcast_in_dim3A = vector.shape_cast %rsqrt3A : vector<1024xf32> to vector<1024x1xf32>
    %get3A_10 = arith.constant 0 : index
    %get3A_11 = arith.constant 0 : index
    %get3A_12 = arith.constant 0 : index
    %get3A_13 = vector.load %arg2[%get3A_10, %get3A_11, %get3A_12] : memref<2x1024x128xf32, #tpu.memory_space<vmem>>, vector<1x1024x128xf32>
    %get3A_14 = vector.shape_cast %get3A_13 : vector<1x1024x128xf32> to vector<1024x128xf32>
    %get3A_15 = arith.constant 1 : index
    %get3A_16 = arith.constant 0 : index
    %get3A_17 = arith.constant 0 : index
    %get3A_18 = vector.load %arg2[%get3A_15, %get3A_16, %get3A_17] : memref<2x1024x128xf32, #tpu.memory_space<vmem>>, vector<1x1024x128xf32>
    %get3A_19 = vector.shape_cast %get3A_18 : vector<1x1024x128xf32> to vector<1024x128xf32>
    %add3A_20 = arith.addf %get3A_14, %get3A_19 : vector<1024x128xf32>
    %get3A_21 = arith.constant 0 : index
    %get3A_22 = arith.constant 0 : index
    %get3A_23 = vector.load %arg3[%get3A_21, %get3A_22] : memref<1024x128xf32, #tpu.memory_space<vmem>>, vector<1024x128xf32>
    %add3A_24 = arith.addf %add3A_20, %get3A_23 : vector<1024x128xf32>
    %mul3A = vector.broadcast %broadcast_in_dim3A : vector<1024x1xf32> to vector<1024x128xf32>
    %mul3A_25 = arith.mulf %mul3A, %add3A_24 : vector<1024x128xf32>
    %get3A_26 = arith.constant 0 : index
    %get3A_27 = arith.constant 0 : index
    %get3A_28 = vector.load %arg4[%get3A_26, %get3A_27] : memref<1x128xf32, #tpu.memory_space<vmem>>, vector<1x128xf32>
    %add3A_29 = vector.broadcast %get3A_28 : vector<1x128xf32> to vector<1024x128xf32>
    %add3A_30 = arith.addf %mul3A_25, %add3A_29 : vector<1024x128xf32>
    %max3A = arith.constant 0.000000e+00 : f32
    %max3A_31 = vector.broadcast %max3A : f32 to vector<1024x128xf32>
    %max3A_32 = arith.maximumf %add3A_30, %max3A_31 : vector<1024x128xf32>
    %swap3A = arith.constant 0 : index
    %swap3A_33 = arith.constant 0 : index
    %swap3A_34 = vector.load %arg6[%swap3A, %swap3A_33] : memref<1024x128xf32, #tpu.memory_space<vmem>>, vector<1024x128xf32>
    tpu.vector_store %arg6[%swap3A, %swap3A_33], %max3A_32 {strides = array<i32>} : memref<1024x128xf32, #tpu.memory_space<vmem>>, vector<1024x128xf32>,
    %get3A_35 = arith.constant 0 : index
    %get3A_36 = arith.constant 0 : index
    %get3A_37 = vector.load %arg5[%get3A_35, %get3A_36] : memref<128x128xf32, #tpu.memory_space<vmem>>, vector<128x128xf32>
    %dot_general3A = arith.constant dense<0.000000e+00> : vector<1024x128xf32>
    %dot_general3A_38 = tpu.matmul %max3A_32, %get3A_37, %dot_general3A {dimension_numbers = #tpu.dot_dimension_numbers<[1], [0], [0], [1], [0, 0, 1, 1], [], []>, transpose_lhs_hint = false} : vector<1024x128xf32>, vector<128x128xf32>, vector<1024x128xf32> -> vector<1024x128xf32>
    %broadcast_in_dim3A_39 = vector.shape_cast %rsqrt3A : vector<1024xf32> to vector<1024x1xf32>
    %mul3A_40 = vector.broadcast %broadcast_in_dim3A_39 : vector<1024x1xf32> to vector<1024x128xf32>
    %mul3A_41 = arith.mulf %dot_general3A_38, %mul3A_40 : vector<1024x128xf32>
    %swap3A_42 = arith.constant 0 : index
    %swap3A_43 = arith.constant 0 : index
    %swap3A_44 = vector.load %arg7[%swap3A_42, %swap3A_43] : memref<1024x128xf32, #tpu.memory_space<vmem>>, vector<1024x128xf32>
    tpu.vector_store %arg7[%swap3A_42, %swap3A_43], %mul3A_41 {strides = array<i32>} : memref<1024x128xf32, #tpu.memory_space<vmem>>, vector<1024x128xf32>,
    return
  }
  func.func @transform_0(%arg0: i32) -> (i32, i32) {
    %c0_i32 = arith.constant 0 : i32
    %c0_i32_0 = arith.constant 0 : i32
    return %c0_i32, %arg0 : i32, i32
  }
  func.func @transform_1(%arg0: i32) -> (i32, i32, i32) {
    %c0_i32 = arith.constant 0 : i32
    %c0_i32_0 = arith.constant 0 : i32
    %c0_i32_1 = arith.constant 0 : i32
    return %c0_i32, %arg0, %c0_i32_0 : i32, i32, i32
  }
  func.func @transform_2(%arg0: i32) -> (i32, i32) {
    %c0_i32 = arith.constant 0 : i32
    %c0_i32_0 = arith.constant 0 : i32
    return %arg0, %c0_i32 : i32, i32
  }
  func.func @transform_3(%arg0: i32) -> (i32, i32) {
    %c0_i32 = arith.constant 0 : i32
    %c0_i32_0 = arith.constant 0 : i32
    %c0_i32_1 = arith.constant 0 : i32
    return %c0_i32, %c0_i32_0 : i32, i32
  }
  func.func @transform_4(%arg0: i32) -> (i32, i32) {
    %c0_i32 = arith.constant 0 : i32
    %c0_i32_0 = arith.constant 0 : i32
    %c0_i32_1 = arith.constant 0 : i32
    return %c0_i32, %c0_i32_0 : i32, i32
  }
  func.func @transform_5(%arg0: i32) -> (i32, i32) {
    %c0_i32 = arith.constant 0 : i32
    %c0_i32_0 = arith.constant 0 : i32
    return %arg0, %c0_i32 : i32, i32
  }
  func.func @transform_6(%arg0: i32) -> (i32, i32) {
    %c0_i32 = arith.constant 0 : i32
    %c0_i32_0 = arith.constant 0 : i32
    return %arg0, %c0_i32 : i32, i32
  }
}

module attributes {stable_mosaic.version = 14 : i64} {
  func.func @_tc3_body(%arg0: i32, %arg1: memref<2x1024xf32, #tpu.memory_space<vmem>>, %arg2: memref<2x1024x128xf32, #tpu.memory_space<vmem>>, %arg3: memref<1024x128xf32, #tpu.memory_space<vmem>>, %arg4: memref<1x128xf32, #tpu.memory_space<vmem>>, %arg5: memref<1024x128xf32, #tpu.memory_space<vmem>>, %arg6: memref<1024x256xf32, #tpu.memory_space<vmem>>) attributes {dimension_semantics = [#tpu.dimension_semantics<arbitrary>], iteration_bounds = array<i64: 10>, scalar_prefetch = 0 : i64, scratch_operands = 0 : i64, tpu.core_type = #tpu.core_type<tc>, window_params = [{transform_indices = @transform_0, window_bounds = array<i64: 2, 1024>}, {transform_indices = @transform_1, window_bounds = array<i64: 2, 1024, 128>}, {transform_indices = @transform_2, window_bounds = array<i64: 1024, 128>}, {pipeline_mode = #tpu.pipeline_mode<synchronous>, transform_indices = @transform_3, window_bounds = array<i64: 1, 128>}, {transform_indices = @transform_4, window_bounds = array<i64: 1024, 128>}, {transform_indices = @transform_5, window_bounds = array<i64: 1024, 256>}]} {
    %get3A = arith.constant 0 : index
    %get3A_0 = arith.constant 0 : index
    %get3A_1 = vector.load %arg1[%get3A, %get3A_0] : memref<2x1024xf32, #tpu.memory_space<vmem>>, vector<1x1024xf32>
    %get3A_2 = vector.shape_cast %get3A_1 : vector<1x1024xf32> to vector<1024xf32>
    %get3A_3 = arith.constant 1 : index
    %get3A_4 = arith.constant 0 : index
    %get3A_5 = vector.load %arg1[%get3A_3, %get3A_4] : memref<2x1024xf32, #tpu.memory_space<vmem>>, vector<1x1024xf32>
    %get3A_6 = vector.shape_cast %get3A_5 : vector<1x1024xf32> to vector<1024xf32>
    %add3A = arith.addf %get3A_2, %get3A_6 : vector<1024xf32>
    %add3A_7 = arith.constant 1.000000e+00 : f32
    %add3A_8 = vector.broadcast %add3A_7 : f32 to vector<1024xf32>
    %add3A_9 = arith.addf %add3A, %add3A_8 : vector<1024xf32>
    %rsqrt3A = math.rsqrt %add3A_9 : vector<1024xf32>
    %broadcast_in_dim3A = vector.shape_cast %rsqrt3A : vector<1024xf32> to vector<1024x1xf32>
    %get3A_10 = arith.constant 0 : index
    %get3A_11 = arith.constant 0 : index
    %get3A_12 = arith.constant 0 : index
    %get3A_13 = vector.load %arg2[%get3A_10, %get3A_11, %get3A_12] : memref<2x1024x128xf32, #tpu.memory_space<vmem>>, vector<1x1024x128xf32>
    %get3A_14 = vector.shape_cast %get3A_13 : vector<1x1024x128xf32> to vector<1024x128xf32>
    %get3A_15 = arith.constant 1 : index
    %get3A_16 = arith.constant 0 : index
    %get3A_17 = arith.constant 0 : index
    %get3A_18 = vector.load %arg2[%get3A_15, %get3A_16, %get3A_17] : memref<2x1024x128xf32, #tpu.memory_space<vmem>>, vector<1x1024x128xf32>
    %get3A_19 = vector.shape_cast %get3A_18 : vector<1x1024x128xf32> to vector<1024x128xf32>
    %add3A_20 = arith.addf %get3A_14, %get3A_19 : vector<1024x128xf32>
    %get3A_21 = arith.constant 0 : index
    %get3A_22 = arith.constant 0 : index
    %get3A_23 = vector.load %arg3[%get3A_21, %get3A_22] : memref<1024x128xf32, #tpu.memory_space<vmem>>, vector<1024x128xf32>
    %add3A_24 = arith.addf %add3A_20, %get3A_23 : vector<1024x128xf32>
    %mul3A = vector.broadcast %broadcast_in_dim3A : vector<1024x1xf32> to vector<1024x128xf32>
    %mul3A_25 = arith.mulf %mul3A, %add3A_24 : vector<1024x128xf32>
    %get3A_26 = arith.constant 0 : index
    %get3A_27 = arith.constant 0 : index
    %get3A_28 = vector.load %arg4[%get3A_26, %get3A_27] : memref<1x128xf32, #tpu.memory_space<vmem>>, vector<1x128xf32>
    %add3A_29 = vector.broadcast %get3A_28 : vector<1x128xf32> to vector<1024x128xf32>
    %add3A_30 = arith.addf %mul3A_25, %add3A_29 : vector<1024x128xf32>
    %max3A = arith.constant 0.000000e+00 : f32
    %max3A_31 = vector.broadcast %max3A : f32 to vector<1024x128xf32>
    %max3A_32 = arith.maximumf %add3A_30, %max3A_31 : vector<1024x128xf32>
    %get3A_33 = arith.constant 0 : index
    %get3A_34 = arith.constant 0 : index
    %get3A_35 = vector.load %arg5[%get3A_33, %get3A_34] : memref<1024x128xf32, #tpu.memory_space<vmem>>, vector<1024x128xf32>
    %swap3A = arith.constant 0 : index
    %swap3A_36 = arith.constant 0 : index
    %swap3A_37 = vector.load %arg6[%swap3A, %swap3A_36] : memref<1024x256xf32, #tpu.memory_space<vmem>>, vector<1024x128xf32>
    tpu.vector_store %arg6[%swap3A, %swap3A_36], %get3A_35 {strides = array<i32>} : memref<1024x256xf32, #tpu.memory_space<vmem>>, vector<1024x128xf32>,
    %swap3A_38 = arith.constant 0 : index
    %swap3A_39 = arith.constant 128 : index
    %swap3A_40 = vector.load %arg6[%swap3A_38, %swap3A_39] : memref<1024x256xf32, #tpu.memory_space<vmem>>, vector<1024x128xf32>
    tpu.vector_store %arg6[%swap3A_38, %swap3A_39], %max3A_32 {strides = array<i32>} : memref<1024x256xf32, #tpu.memory_space<vmem>>, vector<1024x128xf32>,
    return
  }
  func.func @transform_0(%arg0: i32) -> (i32, i32) {
    %c0_i32 = arith.constant 0 : i32
    %c0_i32_0 = arith.constant 0 : i32
    return %c0_i32, %arg0 : i32, i32
  }
  func.func @transform_1(%arg0: i32) -> (i32, i32, i32) {
    %c0_i32 = arith.constant 0 : i32
    %c0_i32_0 = arith.constant 0 : i32
    %c0_i32_1 = arith.constant 0 : i32
    return %c0_i32, %arg0, %c0_i32_0 : i32, i32, i32
  }
  func.func @transform_2(%arg0: i32) -> (i32, i32) {
    %c0_i32 = arith.constant 0 : i32
    %c0_i32_0 = arith.constant 0 : i32
    return %arg0, %c0_i32 : i32, i32
  }
  func.func @transform_3(%arg0: i32) -> (i32, i32) {
    %c0_i32 = arith.constant 0 : i32
    %c0_i32_0 = arith.constant 0 : i32
    %c0_i32_1 = arith.constant 0 : i32
    return %c0_i32, %c0_i32_0 : i32, i32
  }
  func.func @transform_4(%arg0: i32) -> (i32, i32) {
    %c0_i32 = arith.constant 0 : i32
    %c0_i32_0 = arith.constant 0 : i32
    return %arg0, %c0_i32 : i32, i32
  }
  func.func @transform_5(%arg0: i32) -> (i32, i32) {
    %c0_i32 = arith.constant 0 : i32
    %c0_i32_0 = arith.constant 0 : i32
    return %arg0, %c0_i32 : i32, i32
  }
}

</mosaic_0001>

<sc_bundles>
// kernel: kernel.11.cloned.1.call-start
scs
__scs_entry_jumppad:
0x0: {  	(pc) =	sbr.rel $0x88, $3  }
0x1: {  	(tag) =	ssettag $0x0;
	lr =	simm.s32 $0x1  }
0x2: {  	[smem:$0x3F9B] =	sst lr;
	_ =	strace $0xD0000000  }
0x3: {  	_ = 	snop  }
0x4: {  	_ = 	snop  }
0x5: {  	_ = 	snop  }
0x6: {  	_ = 	snop  }
0x7: {  	_ = 	snop  }
__scs_overlays_trampoline_lowered:
0x8: {  	[smem:$0x3FAA] =	sst s0  }
0x9: {  	[smem:$0x3FAB] =	sst s1  }
0xa: {  	[smem:$0x3FAC] =	sst s2  }
0xb: {  	[smem:$0x3FAD] =	sst s3  }
0xc: {  	[smem:$0x3FAE] =	sst s4  }
0xd: {  	[smem:$0x3FAF] =	sst s5  }
0xe: {  	[smem:$0x3FB0] =	sst s6  }
0xf: {  	[smem:$0x3FB1] =	sst s7  }
0x10: {  	[smem:$0x3FB2] =	sst s8  }
0x11: {  	[smem:$0x3FB3] =	sst s9;
	s0 =	simm.s32 @!p0 $0x0  }
0x12: {  	s1 =	sld [smem:$0x3F99];
	s0 =	simm.s32 @p0 $0x1  }
0x13: {  	[smem:$0x3FB4] =	sst s0;
	s0 =	simm.s32 @!p1 $0x0  }
0x14: {  	s2 =	sld [smem:$0x3F98];
	s0 =	simm.s32 @p1 $0x1  }
0x15: {  	[smem:$0x3FB5] =	sst s0;
	s0 =	simm.s32 @!p2 $0x0  }
0x16: {  	s3 =	sld [smem:$0x3FDB];
	s0 =	simm.s32 @p2 $0x1  }
0x17: {  	s4 =	simm.s32 $0x1BF5;
	[smem:$0x3FB7] =	sst s0  }
0x18: {  	s0 =	sld [smem:$0x3F9A];
	_ =	swait.ge [sflag:s4], $0x0  }
0x19: {  	s7 =	sld [smem:$0x3F9B]  }
0x1a: {  	s8 =	sadd.s32 $0xFFFFE003, lr  }
0x1b: {  	s9 =	sadd.s32 $0xFFFFFEF7, lr;
	s5 =	simm.s32 $0xFFFFFFFF;
	p2 =	slt.u32 s8, $0xFFFFF086  }
0x1c: {  	p1 =	slt.u32 s9, $0xF7A;
	s5 =	simm.s32 @!p2 $0x0  }
0x1d: {  	s5 =	simm.s32 @p1 $0x1;
	p0 =	seq.s32 s7, s2  }
0x1e: {  	s7 =	smul.u32 @!p0 $0xF7A, s2;
	p2 =	seq.s32 @!p0 s5, $0x0  }
0x1f: {  	s9 =	smul.u32 $0xF7A, s1;
	s8 =	simm.s32 @!p0 $0x1BF5;
	p2 =	por !p2, p0  }
0x20: {  	[sflag:s8] =	ssyncset.s32 @!p0 $0xFFFFF086;
	s6 =	sadd.s32 @!p0 s3, s7;
	s7 =	simm.s32 @!p0 $0x108  }
0x21: {  	s3 =	sadd.s32 s3, s9;
	s6 =	sadd.s32 @!p0 $0x88, s6;
	s7 =	simm.s32 @p2 $0x1082  }
0x22: {  	[simem:s7], [sflag:s8] =	dma.local @!p0 [hbm:s6], $0xF7A  }
0x23: {  	s9 =	sor.u32 $0xD0000000, s2;
	s6 =	simm.s32 $0x108;
	_ =	swait.ge @!p0 [sflag:s8], $0x0  }
0x24: {  	s3 =	sadd.s32 $0x88, s3;
	s6 =	simm.s32 @!p1 $0x1082;
	[sflag:s4] =	ssyncset.s32 $0xFFFFF086  }
0x25: {  	[simem:s6], [sflag:s4] =	dma.local [hbm:s3], $0xF7A  }
0x26: {  	[smem:$0x3F9B] =	sst s1;
	(tag) =	ssettag s2;
	_ =	strace s9  }
0x27: {  	s1 =	sld [smem:$0x3FAB]  }
0x28: {  	s2 =	sld [smem:$0x3FAC]  }
0x29: {  	s4 =	sld [smem:$0x3FAE]  }
0x2a: {  	p0 =	seq.s32 s5, $0x0;
	s5 =	sld [smem:$0x3FAF]  }
0x2b: {  	s6 =	sld [smem:$0x3FB0]  }
0x2c: {  	s7 =	sld [smem:$0x3FB1]  }
0x2d: {  	s3 =	simm.s32 $0x108;
	s8 =	sld [smem:$0x3FB2]  }
0x2e: {  	s3 =	simm.s32 @!p0 $0x1082;
	s9 =	sld [smem:$0x3FB3]  }
0x2f: {  	lr =	sadd.s32 s0, s3;
	s0 =	sld [smem:$0x3FAA]  }
0x30: {  	s3 =	sld [smem:$0x3FAD]  }
0x31: {  	[smem:$0x3FB6] =	sst s10  }
0x32: {  	s10 =	sld [smem:$0x3FB4];
	_ =	sdelay $0x3  }
0x33: {  	p0 =	seq.s32 s10, $0x1;
	s10 =	sld [smem:$0x3FB6];
	_ =	sdelay $0x3  }
0x34: {  	[smem:$0x3FB6] =	sst s10  }
0x35: {  	s10 =	sld [smem:$0x3FB5];
	_ =	sdelay $0x3  }
0x36: {  	p1 =	seq.s32 s10, $0x1;
	s10 =	sld [smem:$0x3FB6];
	_ =	sdelay $0x3  }
0x37: {  	[smem:$0x3FB6] =	sst s10  }
0x38: {  	s10 =	sld [smem:$0x3FB7]  }
0x39: {  	_ = 	snop;
	(pc) =	sbr.ind lr, $3  }
0x3a: {  	_ = 	snop  }
0x3b: {  	_ = 	snop  }
0x3c: {  	p2 =	seq.s32 s10, $0x1;
	s10 =	sld [smem:$0x3FB6]  }
0x3d: {  	_ =	shalt  }
0x3e: {  	_ =	shalt  }
0x3f: {  	_ =	shalt  }
0x40: {  	_ =	shalt  }
0x41: {  	_ =	shalt  }
0x42: {  	_ =	shalt  }
0x43: {  	_ =	shalt  }
0x44: {  	_ =	shalt  }
0x45: {  	_ =	shalt  }
0x46: {  	_ =	shalt  }
0x47: {  	_ =	shalt  }
0x48: {  	_ =	shalt  }
0x49: {  	_ =	shalt  }
0x4a: {  	_ =	shalt  }
0x4b: {  	_ =	shalt  }
0x4c: {  	_ =	shalt  }
0x4d: {  	_ =	shalt  }
0x4e: {  	_ =	shalt  }
0x4f: {  	_ =	shalt  }
0x50: {  	_ =	shalt  }
0x51: {  	_ =	shalt  }
0x52: {  	_ =	shalt  }
0x53: {  	_ =	shalt  }
0x54: {  	_ =	shalt  }
0x55: {  	_ =	shalt  }
0x56: {  	_ =	shalt  }
0x57: {  	_ =	shalt  }
0x58: {  	_ =	shalt  }
0x59: {  	_ =	shalt  }
0x5a: {  	_ =	shalt  }
0x5b: {  	_ =	shalt  }
0x5c: {  	_ =	shalt  }
0x5d: {  	_ =	shalt  }
0x5e: {  	_ =	shalt  }
0x5f: {  	_ =	shalt  }
0x60: {  	_ =	shalt  }
0x61: {  	_ =	shalt  }
0x62: {  	_ =	shalt  }
0x63: {  	_ =	shalt  }
0x64: {  	_ =	shalt  }
0x65: {  	_ =	shalt  }
0x66: {  	_ =	shalt  }
0x67: {  	_ =	shalt  }
0x68: {  	_ =	shalt  }
0x69: {  	_ =	shalt  }
0x6a: {  	_ =	shalt  }
0x6b: {  	_ =	shalt  }
0x6c: {  	_ =	shalt  }
0x6d: {  	_ =	shalt  }
0x6e: {  	_ =	shalt  }
0x6f: {  	_ =	shalt  }
0x70: {  	_ =	shalt  }
0x71: {  	_ =	shalt  }
0x72: {  	_ =	shalt  }
0x73: {  	_ =	shalt  }
0x74: {  	_ =	shalt  }
0x75: {  	_ =	shalt  }
0x76: {  	_ =	shalt  }
0x77: {  	_ =	shalt  }
0x78: {  	_ =	shalt  }
0x79: {  	_ =	shalt  }
0x7a: {  	_ =	shalt  }
0x7b: {  	_ =	shalt  }
0x7c: {  	_ =	shalt  }
0x7d: {  	_ =	shalt  }
0x7e: {  	_ =	shalt  }
0x7f: {  	_ =	shalt  }
0x80: {  	_ =	shalt  }
0x81: {  	_ =	shalt  }
0x82: {  	_ =	shalt  }
0x83: {  	_ =	shalt  }
0x84: {  	_ =	shalt  }
0x85: {  	_ =	shalt  }
0x86: {  	_ =	shalt  }
0x87: {  	_ =	shalt  }
.Lfunc_end0:
.L_simem_size_0:
called_computation.1_lowered:
.L_overlay_start_0:
0x88: {  	s2 =	sld [smem:$0x3FD9]  }
0x89: {  	s3 =	sld [smem:$0x3FFE];
	_ =	sdelay $0x1  }
0x8a: {  	s1 =	srdreg.scid  }
0x8b: {  	s0 =	sand.u32 $0x1, s1  }
0x8c: {  	s17 =	sshll.u32 s0, $0xA;
	s2 =	sadd.s32 s3, s2  }
0x8d: {  	s2 =	sadd.s32 s2, s17  }
0x8e: {  	[smem:$0x3FC2] =	sst s2  }
0x8f: {  	_ = 	snop  }
0x90: {  	s2 =	sld [smem:$0x3FD0];
	(tm) =	ssettm $0x1  }
0x91: {  	s18 =	sld [smem:$0x3FFB];
	_ =	sdelay $0x3  }
0x92: {  	_ =	strace s18  }
0x93: {  	s3 =	sld [smem:$0x3FFC];
	_ =	sdelay $0x3  }
0x94: {  	_ =	strace s3  }
0x95: {  	s3 =	sld [smem:$0x3FFD];
	_ =	sdelay $0x3  }
0x96: {  	_ =	strace s3  }
0x97: {  	_ =	strace $0x8FFFFFFF  }
0x98: {  	s19 =	sld [smem:$0x3FDB];
	_ =	sdelay $0x1  }
0x99: {  	s4 =	simm.s32 $_scs_section_size  }
0x9a: {  	s5 =	simm.s32 $_size__tile_overlayer_lowered;
	s6 =	simm.s32 $_tile_overlayer_lowered  }
0x9b: {  	s22 =	simm.s32 $0x1BFF;
	s21 =	sshll.u32 s6, $0x1;
	s3 =	sadd.s32 s4, s19  }
0x9c: {  	s7 =	simm.s32 $0x0;
	s20 =	sshll.u32 s5, $0x1;
	s5 =	sadd.s32 s21, s3  }
0x9d: {  	[timem:s7], [sflag:s22] =	dma.local [hbm:s5], s20  }
0x9e: {  	_ =	swait.ge [sflag:s22], s20  }
0x9f: {  	s4 =	ssub.s32 $0x0, s20;
	[sflag:s22] =	ssyncset.done $0x0  }
0xa0: {  	[sflag:s22] =	ssyncadd.s32 s4;
	_ =	sdelay $0x1  }
0xa1: {  	s23 =	simm.s32 $0x1B8B  }
0xa2: {  	_ =	swait.ge [sflag:s23], $0x1  }
0xa3: {  	[sflag:s23] =	ssyncset.done $0x0  }
0xa4: {  	s25 =	simm.s32 $0x1B8E;
	s24 =	sld [smem:$0x3FFE];
	[sflag:s23] =	ssyncadd.s32 $0xFFFFFFFF  }
0xa5: {  	s26 =	simm.s32 $execute0_lowered;
	[smem:$0x3FD2] =	sst s25  }
0xa6: {  	s5 =	sshll.u32 s26, $0x1;
	_ =	strace $0x80000049;
	[dreg:$0x1] =	wrdreg $0xFFFFFFFF  }
0xa7: {  	s28 =	simm.s32 $_size_execute0_lowered;
	s3 =	sadd.s32 s3, s5;
	[dreg:$0x0] =	wrdreg $0x0  }
0xa8: {  	s5 =	sshll.u32 s28, $0x1;
	[dreg:$0x2] =	wrdreg s3  }
0xa9: {  	[dreg:$0x3] =	wrdreg s5  }
0xaa: {  	[dreg:$0x4] =	wrdreg $0xC0  }
0xab: {  	_ =	task [dreg:s7], $0x5FFFF  }
0xac: {  	[dreg:$0x1] =	wrdreg $0xFFFFFFFF  }
0xad: {  	[dreg:$0x0] =	wrdreg $0x60  }
0xae: {  	[dreg:$0x2] =	wrdreg s2  }
0xaf: {  	[dreg:$0x3] =	wrdreg s24  }
0xb0: {  	[dreg:$0x4] =	wrdreg $0x0  }
0xb1: {  	[dreg:$0x5] =	wrdreg $0x9  }
0xb2: {  	_ =	task.clear_ibuf [dreg:s7], $0x6FFFF;
	_ =	strace $0x90000049  }
0xb3: {  	s29 =	simm.s32 $0x9;
	_ =	strace $0x8000004B  }
0xb4: {  	_ =	swait.ge [sflag:s29], $0x1  }
0xb5: {  	[sflag:s29] =	ssyncadd.s32 $0xFFFFFFFF  }
0xb6: {  	_ =	strace $0x9000004B  }
0xb7: {  	_ =	sfence  }
0xb8: {  	s30 =	sld [smem:$0x0];
	_ =	sdelay $0x2  }
0xb9: {  	s31 =	sshll.u32 s1, $0xD;
	s1 =	sshrl.u32 s1, $0x2  }
0xba: {  	s3 =	sand.u32 $0x4000, s31;
	s1 =	sadd.s32 s1, s30  }
0xbb: {  	s0 =	sor.u32 s3, s0;
	s1 =	sshll.u32 s1, $0x11  }
0xbc: {  	s0 =	sor.u32 s1, s0  }
0xbd: {  	s0 =	sadd.s32 $0x8F2B, s0  }
0xbe: {  	[sflag:s0] =	ssyncadd.remote.s32 $0x1  }
0xbf: {  	_ =	sfence.sel $0xFFFF  }
0xc0: {  	[dreg:$0x0] =	wrdreg $0xFFFFFFFF;
	(pc) =	sbr.abs _section_cstart, $3  }
0xc1: {  	[dreg:$0x1] =	wrdreg $0xFFFFFFFF  }
0xc2: {  	_ =	task.clear_ibuf [dreg:s7], $0x2FFFF;
	_ =	strace $0x9FFFFFFF  }
0xc3: {  	(tm) =	ssettm $0x7FFFFFFF  }
tec
execute0_lowered:
.L_overlay_start_1:
0x0: {  	(tag) =	ssettag $0x1  }
0x1: {  	s1 =	rddreg [dreg:$0x0]  }
0x2: {  	s2 =	srdreg.scid;
	s5 =	rddreg [dreg:$0x1]  }
0x3: {  	s0 =	stileid.u32;
	s3 =	rddreg [dreg:$0x2]  }
0x4: {  	s4 =	simm.s32 $0x0;
	s28 =	simm.s32 $0x1;
	s6 =	sand.u32 $0x1, s2  }
0x5: {  	s22 =	sshll.u32 s0, $0x1;
	[smem:$0x7FF] =	sst s4;
	s8 =	smul.u32 $0x50000, s0  }
0x6: {  	s17 =	smul.u32 $0x14000, s0;
	s18 =	sadd.s32 $0x16600, s5;
	s7 =	sor.u32 s6, s22  }
0x7: {  	_ =	strace $0x8000004A;
	s16 =	smul.u32 $0x140000, s6;
	s6 =	ssub.s32 $0x2, s6  }
0x8: {  	s7 =	smul.u32 $0x500, s7;
	s23 =	sshrl.u32 s6, $0x1;
	s8 =	sshrl.u32 s8, $0x2  }
0x9: {  	s15 =	sadd.s32 $0x4000, s17;
	s19 =	sadd.s32 $0x8000, s17;
	s26 =	sadd.s32 $0xC000, s17  }
0xa: {  	s9 =	ssub.s32 s6, s23;
	s24 =	sadd.s32 s16, s17;
	s13 =	sadd.s32 s16, s15  }
0xb: {  	s20 =	sadd.s32 s16, s19;
	s22 =	sadd.s32 s15, s3;
	s21 =	sadd.s32 s16, s26  }
0xc: {  	s23 =	sadd.s32 $0x10000, s17;
	s7 =	sadd.s32 s7, s5;
	s5 =	sadd.s32 s8, s3  }
0xd: {  	s8 =	sshrl.u32 s24, $0x3;
	s9 =	smax.u32 s9, $0x1;
	s14 =	sshrl.u32 s13, $0x3  }
0xe: {  	s25 =	sshrl.u32 s20, $0x3;
	s24 =	sadd.s32 s19, s3;
	s29 =	sshrl.u32 s21, $0x3  }
0xf: {  	s30 =	sadd.s32 s16, s23;
	s19 =	simm.s32 $0x2;
	s20 =	simm.s32 $0x14000  }
0x10: {  	s21 =	simm.s32 $0x16800;
	s22 =	sshrl.u32 s22, $0x3;
	s6 =	sadd.s32 $0xC600, s7  }
0x11: {  	s7 =	sadd.s32 $0x2600, s7;
	s8 =	sadd.s32 s18, s8;
	s10 =	sadd.s32 $0x4000, s5  }
0x12: {  	s11 =	sadd.s32 $0x8000, s5;
	s12 =	sadd.s32 $0xC000, s5;
	s13 =	sadd.s32 $0x10000, s5  }
0x13: {  	s14 =	sadd.s32 s18, s14;
	s15 =	sadd.s32 s18, s25;
	s16 =	sadd.s32 s18, s29  }
0x14: {  	s25 =	sadd.s32 s26, s3;
	s31 =	sshrl.u32 s30, $0x3;
	s26 =	sadd.s32 s23, s3  }
0x15: {  	s23 =	sshrl.u32 s24, $0x3;
	s17 =	sadd.s32 s18, s31;
	s18 =	simm.s32 $0x19000  }
0x16: {  	v0 =	vimm.f32 $0.0e+00;
	s24 =	sshrl.u32 s25, $0x3;
	s25 =	sshrl.u32 s26, $0x3;
	s26 =	simm.s32 $0x80  }
.LBB2_1:
0x17: {  	s29 =	simm.s32 $0x0;
	s30 =	simm.s32 $0x200  }
.LBB2_2:
0x18: {  	p0 =	sne.s32 s30, $0xFE00;
	[tilespmem:s29+$0x19070] =	vst v0  }
0x19: {  	[tilespmem:s29+$0x19000] =	vst v0  }
0x1a: {  	[tilespmem:s29+$0x19010] =	vst v0  }
.Ltmp0:
0x1b: {  	[tilespmem:s29+$0x19020] =	vst v0;
	(pc) =	sbr.rel @p0 .LBB2_2-.Ltmp0, $4  }
0x1c: {  	[tilespmem:s29+$0x19030] =	vst v0  }
0x1d: {  	[tilespmem:s29+$0x19040] =	vst v0  }
0x1e: {  	[tilespmem:s29+$0x19050] =	vst v0  }
0x1f: {  	[tilespmem:s29+$0x19060] =	vst v0;
	s29 =	sshra.s32 s30, $0x2;
	s30 =	sadd.s32 $0x200, s30  }
0x20: {  	[tilespmem:s29+$0x19070] =	vst v0  }
0x21: {  	[tilespmem:s29+$0x19000] =	vst v0  }
0x22: {  	[tilespmem:s29+$0x19010] =	vst v0  }
0x23: {  	[tilespmem:s29+$0x19020] =	vst v0  }
0x24: {  	[tilespmem:s29+$0x19030] =	vst v0  }
0x25: {  	[tilespmem:s29+$0x19040] =	vst v0  }
0x26: {  	[tilespmem:s29+$0x19050] =	vst v0  }
0x27: {  	[tilespmem:s29+$0x19060] =	vst v0  }
0x28: {  	[spmem:s5] =	stream.linear.scatter [tilespmem:s18], [sflag:$0x2], $0x4000, $0x38;
	[tilespmem:$0x1D000] =	vst v63  }
0x29: {  	_ =	swait.ge [sflag:s19], $0x4000  }
0x2a: {  	[sflag:s19] =	ssyncset.done $0x0  }
0x2b: {  	[sflag:s19] =	ssyncadd.s32 $0xFFFFC000  }
0x2c: {  	[spmem:s10] =	stream.linear.scatter [tilespmem:s18], [sflag:$0x2], $0x4000, $0x38;
	[tilespmem:$0x1D000] =	vst v63  }
0x2d: {  	_ =	swait.ge [sflag:s19], $0x4000  }
0x2e: {  	[sflag:s19] =	ssyncset.done $0x0  }
0x2f: {  	[sflag:s19] =	ssyncadd.s32 $0xFFFFC000  }
0x30: {  	[spmem:s11] =	stream.linear.scatter [tilespmem:s18], [sflag:$0x2], $0x4000, $0x38;
	[tilespmem:$0x1D000] =	vst v63  }
0x31: {  	_ =	swait.ge [sflag:s19], $0x4000  }
0x32: {  	[sflag:s19] =	ssyncset.done $0x0  }
0x33: {  	[sflag:s19] =	ssyncadd.s32 $0xFFFFC000  }
0x34: {  	[spmem:s12] =	stream.linear.scatter [tilespmem:s18], [sflag:$0x2], $0x4000, $0x38;
	[tilespmem:$0x1D000] =	vst v63  }
0x35: {  	_ =	swait.ge [sflag:s19], $0x4000  }
0x36: {  	[sflag:s19] =	ssyncset.done $0x0  }
0x37: {  	[sflag:s19] =	ssyncadd.s32 $0xFFFFC000  }
0x38: {  	[spmem:s13] =	stream.linear.scatter [tilespmem:s18], [sflag:$0x2], $0x4000, $0x38;
	[tilespmem:$0x1D000] =	vst v63  }
0x39: {  	_ =	swait.ge [sflag:s19], $0x4000  }
0x3a: {  	[sflag:s19] =	ssyncset.done $0x0  }
0x3b: {  	[sflag:s19] =	ssyncadd.s32 $0xFFFFC000  }
0x3c: {  	s29 =	simm.s32 $0x0;
	[bflag:$0x0] =	sbarrier.arrive $0xFFFF  }
0x3d: {  	[tilespmem:s20], [sflag:$0x2] =	stream.linear.gather [hbm4b:s6+s29], $0x2780, $0x38;
	[tilespmem:$0x1D000] =	vst v63  }
0x3e: {  	_ =	swait.ge [sflag:s19], $0x2780  }
0x3f: {  	[sflag:s19] =	ssyncset.done $0x0  }
0x40: {  	[sflag:s19] =	ssyncadd.s32 $0xFFFFD880  }
0x41: {  	[tilespmem:s21], [sflag:$0x2] =	stream.linear.gather [hbm4b:s7+s29], $0x2780, $0x38;
	[tilespmem:$0x1D000] =	vst v63  }
0x42: {  	_ =	swait.ge [sflag:s19], $0x2780  }
0x43: {  	[sflag:s19] =	ssyncset.done $0x0  }
0x44: {  	s29 =	simm.s32 $0x14000;
	[sflag:s19] =	ssyncadd.s32 $0xFFFFD880  }
0x45: {  	[tilespmem:s18], [sflag:$0x1] =	stream.indirect.gather [hbm4b:s1+s26], $0x80, s29, s26, $0xb8;
	[tilespmem:$0x1D000] =	vst v63  }
0x46: {  	_ =	swait.ge [sflag:s28], $0x4000  }
0x47: {  	[sflag:s28] =	ssyncset.done $0x0  }
0x48: {  	s29 =	simm.s32 $0x16800;
	[sflag:s28] =	ssyncadd.s32 $0xFFFFC000  }
0x49: {  	[spmem:s3] =	stream.indirect.scatter.add.f32 [tilespmem:s18], [sflag:$0x2], $0x80, s29, s26, $0xb8;
	[tilespmem:$0x1D000] =	vst v63  }
0x4a: {  	_ =	swait.ge [sflag:s19], $0x4000  }
0x4b: {  	s30 =	simm.s32 $0x400;
	s29 =	simm.s32 $0x80;
	[sflag:s19] =	ssyncset.done $0x0  }
.LBB2_4:
0x4c: {  	s31 =	sadd.s32 $0x14000, s29  }
0x4d: {  	[sflag:s19] =	ssyncadd.s32 $0xFFFFC000;
	s2 =	smov.u32 s30;
	s0 =	sadd.s32 $0x200, s30  }
0x4e: {  	[tilespmem:s18], [sflag:$0x1] =	stream.indirect.gather [hbm4b:s1+s26], $0x80, s31, s26, $0xb8;
	[tilespmem:$0x1D000] =	vst v63  }
0x4f: {  	p0 =	sne.s32 s30, $0x9C00;
	_ =	swait.ge [sflag:s28], $0x4000  }
.Ltmp1:
0x50: {  	[sflag:s28] =	ssyncset.done $0x0;
	(pc) =	sbr.rel @p0 .LBB2_4-.Ltmp1, $4  }
0x51: {  	s29 =	sadd.s32 $0x16800, s29;
	[sflag:s28] =	ssyncadd.s32 $0xFFFFC000  }
0x52: {  	[spmem:s3] =	stream.indirect.scatter.add.f32 [tilespmem:s18], [sflag:$0x2], $0x80, s29, s26, $0xb8;
	[tilespmem:$0x1D000] =	vst v63  }
0x53: {  	_ =	swait.ge [sflag:s19], $0x4000  }
0x54: {  	s30 =	smov.u32 s0;
	s29 =	sshra.s32 s2, $0x2;
	[sflag:s19] =	ssyncset.done $0x0  }
0x55: {  	s0 =	sadd.s32 $0x14000, s29;
	[sflag:s19] =	ssyncadd.s32 $0xFFFFC000  }
0x56: {  	[tilespmem:s18], [sflag:$0x1] =	stream.indirect.gather [hbm4b:s1+s26], $0x80, s0, s26, $0xb8;
	[tilespmem:$0x1D000] =	vst v63  }
0x57: {  	_ =	swait.ge [sflag:s28], $0x4000  }
0x58: {  	[sflag:s28] =	ssyncset.done $0x0  }
0x59: {  	s30 =	sadd.s32 $0x16800, s29;
	[sflag:s28] =	ssyncadd.s32 $0xFFFFC000  }
0x5a: {  	[spmem:s3] =	stream.indirect.scatter.add.f32 [tilespmem:s18], [sflag:$0x2], $0x80, s30, s26, $0xb8;
	[tilespmem:$0x1D000] =	vst v63  }
0x5b: {  	_ =	swait.ge [sflag:s19], $0x4000  }
0x5c: {  	s31 =	stileid.u32;
	[sflag:s19] =	ssyncset.done $0x0  }
0x5d: {  	s0 =	sshll.u32 s31, $0x6;
	[sflag:s19] =	ssyncadd.s32 $0xFFFFC000  }
0x5e: {  	s2 =	sshrl.u32 s5, $0x3;
	s0 =	sor.u32 $0x1C02, s0;
	[bflag:$0x0] =	sbarrier.arrive $0xFFFF  }
0x5f: {  	[hbm:s8], [sflag:s0] =	dma.local [spmem:s2], $0x800  }
0x60: {  	_ =	swait.ge [sflag:s19], $0x800  }
0x61: {  	[sflag:s19] =	ssyncset.done $0x0  }
0x62: {  	[sflag:s19] =	ssyncadd.s32 $0xFFFFF800  }
0x63: {  	[hbm:s14], [sflag:s0] =	dma.local [spmem:s22], $0x800  }
0x64: {  	_ =	swait.ge [sflag:s19], $0x800  }
0x65: {  	[sflag:s19] =	ssyncset.done $0x0  }
0x66: {  	[sflag:s19] =	ssyncadd.s32 $0xFFFFF800  }
0x67: {  	[hbm:s15], [sflag:s0] =	dma.local [spmem:s23], $0x800  }
0x68: {  	_ =	swait.ge [sflag:s19], $0x800  }
0x69: {  	[sflag:s19] =	ssyncset.done $0x0  }
0x6a: {  	[sflag:s19] =	ssyncadd.s32 $0xFFFFF800  }
0x6b: {  	[hbm:s16], [sflag:s0] =	dma.local [spmem:s24], $0x800  }
0x6c: {  	s4 =	sadd.s32 $0x1, s4;
	_ =	swait.ge [sflag:s19], $0x800  }
0x6d: {  	p0 =	sne.s32 s4, s9;
	[sflag:s19] =	ssyncset.done $0x0  }
.Ltmp2:
0x6e: {  	[sflag:s19] =	ssyncadd.s32 $0xFFFFF800;
	(pc) =	sbr.rel @p0 .LBB2_1-.Ltmp2, $4  }
0x6f: {  	[hbm:s17], [sflag:s0] =	dma.local [spmem:s25], $0x800  }
0x70: {  	_ =	swait.ge [sflag:s19], $0x800  }
0x71: {  	[sflag:s19] =	ssyncset.done $0x0  }
0x72: {  	[sflag:s19] =	ssyncadd.s32 $0xFFFFF800  }
0x73: {  	_ =	sfence.sel $0x180000  }
0x74: {  	[bflag:$0x0] =	sbarrier.arrive $0xFFFF  }
0x75: {  	_ =	strace $0x9000004A  }
0x76: {  	s0 =	stileid.u32;
	[bflag:$0x2] =	sbarrier.arrive $0xFFFF  }
0x77: {  	p0 =	sne.s32 s0, $0x0;
	s0 =	rddreg [dreg:$0x3]  }
0x78: {  	s0 =	sadd.s32 @!p0 $0x100000, s0  }
0x79: {  	[sflag:s0] =	ssyncadd.tile.s32 @!p0 $0x1;
	_ =	shalt  }
.Lfunc_end2:
_tile_overlayer_lowered:
.L_overlay_start_2:
0x7a: {  	(tag) =	ssettag $0x2  }
0x7b: {  	s0 =	rddreg [dreg:$0x0];
	s2 =	stileid.u32  }
0x7c: {  	s1 =	rddreg [dreg:$0x1];
	p0 =	sne.s32 s2, $0x0  }
0x7d: {  	s3 =	rddreg [dreg:$0x2];
	[bflag:$0x3] =	sbarrier.arrive $0xFFFF;
	s2 =	simm.s32 @!p0 $0x1C02  }
0x7e: {  	[timem:s3], [sflag:s2] =	dma.local @!p0 [hbm:s0], s1  }
0x7f: {  	s0 =	simm.s32 @!p0 $0x2  }
0x80: {  	_ =	swait.ge @!p0 [sflag:s0], s1  }
0x81: {  	s1 =	ssub.s32 @!p0 $0x0, s1;
	[sflag:s0] =	ssyncset.done @!p0 $0x0  }
0x82: {  	[sflag:s0] =	ssyncadd.s32 @!p0 s1  }
0x83: {  	[bflag:$0x3] =	sbarrier.arrive $0xFFFF  }
0x84: {  	_ =	shalt  }

// kernel: kernel.14.cloned.1.call-start
scs
__scs_entry_jumppad:
0x0: {  	(pc) =	sbr.rel $0x88, $3  }
0x1: {  	(tag) =	ssettag $0x0;
	lr =	simm.s32 $0x1  }
0x2: {  	[smem:$0x3F9B] =	sst lr;
	_ =	strace $0xD0000000  }
0x3: {  	_ = 	snop  }
0x4: {  	_ = 	snop  }
0x5: {  	_ = 	snop  }
0x6: {  	_ = 	snop  }
0x7: {  	_ = 	snop  }
__scs_overlays_trampoline_lowered:
0x8: {  	[smem:$0x3FAA] =	sst s0  }
0x9: {  	[smem:$0x3FAB] =	sst s1  }
0xa: {  	[smem:$0x3FAC] =	sst s2  }
0xb: {  	[smem:$0x3FAD] =	sst s3  }
0xc: {  	[smem:$0x3FAE] =	sst s4  }
0xd: {  	[smem:$0x3FAF] =	sst s5  }
0xe: {  	[smem:$0x3FB0] =	sst s6  }
0xf: {  	[smem:$0x3FB1] =	sst s7  }
0x10: {  	[smem:$0x3FB2] =	sst s8  }
0x11: {  	[smem:$0x3FB3] =	sst s9;
	s0 =	simm.s32 @!p0 $0x0  }
0x12: {  	s1 =	sld [smem:$0x3F99];
	s0 =	simm.s32 @p0 $0x1  }
0x13: {  	[smem:$0x3FB4] =	sst s0;
	s0 =	simm.s32 @!p1 $0x0  }
0x14: {  	s2 =	sld [smem:$0x3F98];
	s0 =	simm.s32 @p1 $0x1  }
0x15: {  	[smem:$0x3FB5] =	sst s0;
	s0 =	simm.s32 @!p2 $0x0  }
0x16: {  	s3 =	sld [smem:$0x3FDB];
	s0 =	simm.s32 @p2 $0x1  }
0x17: {  	s4 =	simm.s32 $0x1BF5;
	[smem:$0x3FB7] =	sst s0  }
0x18: {  	s0 =	sld [smem:$0x3F9A];
	_ =	swait.ge [sflag:s4], $0x0  }
0x19: {  	s7 =	sld [smem:$0x3F9B]  }
0x1a: {  	s8 =	sadd.s32 $0xFFFFE003, lr  }
0x1b: {  	s9 =	sadd.s32 $0xFFFFFEF7, lr;
	s5 =	simm.s32 $0xFFFFFFFF;
	p2 =	slt.u32 s8, $0xFFFFF086  }
0x1c: {  	p1 =	slt.u32 s9, $0xF7A;
	s5 =	simm.s32 @!p2 $0x0  }
0x1d: {  	s5 =	simm.s32 @p1 $0x1;
	p0 =	seq.s32 s7, s2  }
0x1e: {  	s7 =	smul.u32 @!p0 $0xF7A, s2;
	p2 =	seq.s32 @!p0 s5, $0x0  }
0x1f: {  	s9 =	smul.u32 $0xF7A, s1;
	s8 =	simm.s32 @!p0 $0x1BF5;
	p2 =	por !p2, p0  }
0x20: {  	[sflag:s8] =	ssyncset.s32 @!p0 $0xFFFFF086;
	s6 =	sadd.s32 @!p0 s3, s7;
	s7 =	simm.s32 @!p0 $0x108  }
0x21: {  	s3 =	sadd.s32 s3, s9;
	s6 =	sadd.s32 @!p0 $0x88, s6;
	s7 =	simm.s32 @p2 $0x1082  }
0x22: {  	[simem:s7], [sflag:s8] =	dma.local @!p0 [hbm:s6], $0xF7A  }
0x23: {  	s9 =	sor.u32 $0xD0000000, s2;
	s6 =	simm.s32 $0x108;
	_ =	swait.ge @!p0 [sflag:s8], $0x0  }
0x24: {  	s3 =	sadd.s32 $0x88, s3;
	s6 =	simm.s32 @!p1 $0x1082;
	[sflag:s4] =	ssyncset.s32 $0xFFFFF086  }
0x25: {  	[simem:s6], [sflag:s4] =	dma.local [hbm:s3], $0xF7A  }
0x26: {  	[smem:$0x3F9B] =	sst s1;
	(tag) =	ssettag s2;
	_ =	strace s9  }
0x27: {  	s1 =	sld [smem:$0x3FAB]  }
0x28: {  	s2 =	sld [smem:$0x3FAC]  }
0x29: {  	s4 =	sld [smem:$0x3FAE]  }
0x2a: {  	p0 =	seq.s32 s5, $0x0;
	s5 =	sld [smem:$0x3FAF]  }
0x2b: {  	s6 =	sld [smem:$0x3FB0]  }
0x2c: {  	s7 =	sld [smem:$0x3FB1]  }
0x2d: {  	s3 =	simm.s32 $0x108;
	s8 =	sld [smem:$0x3FB2]  }
0x2e: {  	s3 =	simm.s32 @!p0 $0x1082;
	s9 =	sld [smem:$0x3FB3]  }
0x2f: {  	lr =	sadd.s32 s0, s3;
	s0 =	sld [smem:$0x3FAA]  }
0x30: {  	s3 =	sld [smem:$0x3FAD]  }
0x31: {  	[smem:$0x3FB6] =	sst s10  }
0x32: {  	s10 =	sld [smem:$0x3FB4];
	_ =	sdelay $0x3  }
0x33: {  	p0 =	seq.s32 s10, $0x1;
	s10 =	sld [smem:$0x3FB6];
	_ =	sdelay $0x3  }
0x34: {  	[smem:$0x3FB6] =	sst s10  }
0x35: {  	s10 =	sld [smem:$0x3FB5];
	_ =	sdelay $0x3  }
0x36: {  	p1 =	seq.s32 s10, $0x1;
	s10 =	sld [smem:$0x3FB6];
	_ =	sdelay $0x3  }
0x37: {  	[smem:$0x3FB6] =	sst s10  }
0x38: {  	s10 =	sld [smem:$0x3FB7]  }
0x39: {  	_ = 	snop;
	(pc) =	sbr.ind lr, $3  }
0x3a: {  	_ = 	snop  }
0x3b: {  	_ = 	snop  }
0x3c: {  	p2 =	seq.s32 s10, $0x1;
	s10 =	sld [smem:$0x3FB6]  }
0x3d: {  	_ =	shalt  }
0x3e: {  	_ =	shalt  }
0x3f: {  	_ =	shalt  }
0x40: {  	_ =	shalt  }
0x41: {  	_ =	shalt  }
0x42: {  	_ =	shalt  }
0x43: {  	_ =	shalt  }
0x44: {  	_ =	shalt  }
0x45: {  	_ =	shalt  }
0x46: {  	_ =	shalt  }
0x47: {  	_ =	shalt  }
0x48: {  	_ =	shalt  }
0x49: {  	_ =	shalt  }
0x4a: {  	_ =	shalt  }
0x4b: {  	_ =	shalt  }
0x4c: {  	_ =	shalt  }
0x4d: {  	_ =	shalt  }
0x4e: {  	_ =	shalt  }
0x4f: {  	_ =	shalt  }
0x50: {  	_ =	shalt  }
0x51: {  	_ =	shalt  }
0x52: {  	_ =	shalt  }
0x53: {  	_ =	shalt  }
0x54: {  	_ =	shalt  }
0x55: {  	_ =	shalt  }
0x56: {  	_ =	shalt  }
0x57: {  	_ =	shalt  }
0x58: {  	_ =	shalt  }
0x59: {  	_ =	shalt  }
0x5a: {  	_ =	shalt  }
0x5b: {  	_ =	shalt  }
0x5c: {  	_ =	shalt  }
0x5d: {  	_ =	shalt  }
0x5e: {  	_ =	shalt  }
0x5f: {  	_ =	shalt  }
0x60: {  	_ =	shalt  }
0x61: {  	_ =	shalt  }
0x62: {  	_ =	shalt  }
0x63: {  	_ =	shalt  }
0x64: {  	_ =	shalt  }
0x65: {  	_ =	shalt  }
0x66: {  	_ =	shalt  }
0x67: {  	_ =	shalt  }
0x68: {  	_ =	shalt  }
0x69: {  	_ =	shalt  }
0x6a: {  	_ =	shalt  }
0x6b: {  	_ =	shalt  }
0x6c: {  	_ =	shalt  }
0x6d: {  	_ =	shalt  }
0x6e: {  	_ =	shalt  }
0x6f: {  	_ =	shalt  }
0x70: {  	_ =	shalt  }
0x71: {  	_ =	shalt  }
0x72: {  	_ =	shalt  }
0x73: {  	_ =	shalt  }
0x74: {  	_ =	shalt  }
0x75: {  	_ =	shalt  }
0x76: {  	_ =	shalt  }
0x77: {  	_ =	shalt  }
0x78: {  	_ =	shalt  }
0x79: {  	_ =	shalt  }
0x7a: {  	_ =	shalt  }
0x7b: {  	_ =	shalt  }
0x7c: {  	_ =	shalt  }
0x7d: {  	_ =	shalt  }
0x7e: {  	_ =	shalt  }
0x7f: {  	_ =	shalt  }
0x80: {  	_ =	shalt  }
0x81: {  	_ =	shalt  }
0x82: {  	_ =	shalt  }
0x83: {  	_ =	shalt  }
0x84: {  	_ =	shalt  }
0x85: {  	_ =	shalt  }
0x86: {  	_ =	shalt  }
0x87: {  	_ =	shalt  }
.Lfunc_end0:
.L_simem_size_0:
called_computation.2_lowered:
.L_overlay_start_0:
0x88: {  	s2 =	sld [smem:$0x3FD9]  }
0x89: {  	s3 =	sld [smem:$0x3FFE];
	_ =	sdelay $0x1  }
0x8a: {  	s1 =	srdreg.scid  }
0x8b: {  	s0 =	sand.u32 $0x1, s1  }
0x8c: {  	s17 =	sshll.u32 s0, $0xA;
	s2 =	sadd.s32 s3, s2  }
0x8d: {  	s2 =	sadd.s32 s2, s17  }
0x8e: {  	[smem:$0x3FC2] =	sst s2  }
0x8f: {  	_ = 	snop  }
0x90: {  	s2 =	sld [smem:$0x3FD0];
	(tm) =	ssettm $0x1  }
0x91: {  	s18 =	sld [smem:$0x3FFB];
	_ =	sdelay $0x3  }
0x92: {  	_ =	strace s18  }
0x93: {  	s3 =	sld [smem:$0x3FFC];
	_ =	sdelay $0x3  }
0x94: {  	_ =	strace s3  }
0x95: {  	s3 =	sld [smem:$0x3FFD];
	_ =	sdelay $0x3  }
0x96: {  	_ =	strace s3  }
0x97: {  	_ =	strace $0x8FFFFFFF  }
0x98: {  	s19 =	sld [smem:$0x3FDB];
	_ =	sdelay $0x1  }
0x99: {  	s4 =	simm.s32 $_scs_section_size  }
0x9a: {  	s5 =	simm.s32 $_size__tile_overlayer_lowered;
	s6 =	simm.s32 $_tile_overlayer_lowered  }
0x9b: {  	s22 =	simm.s32 $0x1BFF;
	s21 =	sshll.u32 s6, $0x1;
	s3 =	sadd.s32 s4, s19  }
0x9c: {  	s7 =	simm.s32 $0x0;
	s20 =	sshll.u32 s5, $0x1;
	s5 =	sadd.s32 s21, s3  }
0x9d: {  	[timem:s7], [sflag:s22] =	dma.local [hbm:s5], s20  }
0x9e: {  	_ =	swait.ge [sflag:s22], s20  }
0x9f: {  	s4 =	ssub.s32 $0x0, s20;
	[sflag:s22] =	ssyncset.done $0x0  }
0xa0: {  	[sflag:s22] =	ssyncadd.s32 s4;
	_ =	sdelay $0x1  }
0xa1: {  	s23 =	simm.s32 $0x1B8B  }
0xa2: {  	_ =	swait.ge [sflag:s23], $0x1  }
0xa3: {  	[sflag:s23] =	ssyncset.done $0x0  }
0xa4: {  	s25 =	simm.s32 $0x1B8E;
	s24 =	sld [smem:$0x3FFE];
	[sflag:s23] =	ssyncadd.s32 $0xFFFFFFFF  }
0xa5: {  	s26 =	simm.s32 $execute0_lowered;
	[smem:$0x3FD2] =	sst s25  }
0xa6: {  	s5 =	sshll.u32 s26, $0x1;
	_ =	strace $0x8000004C;
	[dreg:$0x1] =	wrdreg $0xFFFFFFFF  }
0xa7: {  	s28 =	simm.s32 $_size_execute0_lowered;
	s3 =	sadd.s32 s3, s5;
	[dreg:$0x0] =	wrdreg $0x0  }
0xa8: {  	s5 =	sshll.u32 s28, $0x1;
	[dreg:$0x2] =	wrdreg s3  }
0xa9: {  	[dreg:$0x3] =	wrdreg s5  }
0xaa: {  	[dreg:$0x4] =	wrdreg $0xC0  }
0xab: {  	_ =	task [dreg:s7], $0x5FFFF  }
0xac: {  	[dreg:$0x1] =	wrdreg $0xFFFFFFFF  }
0xad: {  	[dreg:$0x0] =	wrdreg $0x60  }
0xae: {  	[dreg:$0x2] =	wrdreg s2  }
0xaf: {  	[dreg:$0x3] =	wrdreg s24  }
0xb0: {  	[dreg:$0x4] =	wrdreg $0x0  }
0xb1: {  	[dreg:$0x5] =	wrdreg $0x9  }
0xb2: {  	_ =	task.clear_ibuf [dreg:s7], $0x6FFFF;
	_ =	strace $0x9000004C  }
0xb3: {  	s29 =	simm.s32 $0x9;
	_ =	strace $0x8000004E  }
0xb4: {  	_ =	swait.ge [sflag:s29], $0x1  }
0xb5: {  	[sflag:s29] =	ssyncadd.s32 $0xFFFFFFFF  }
0xb6: {  	_ =	strace $0x9000004E  }
0xb7: {  	_ =	sfence  }
0xb8: {  	s30 =	sld [smem:$0x0];
	_ =	sdelay $0x2  }
0xb9: {  	s31 =	sshll.u32 s1, $0xD;
	s1 =	sshrl.u32 s1, $0x2  }
0xba: {  	s3 =	sand.u32 $0x4000, s31;
	s1 =	sadd.s32 s1, s30  }
0xbb: {  	s0 =	sor.u32 s3, s0;
	s1 =	sshll.u32 s1, $0x11  }
0xbc: {  	s0 =	sor.u32 s1, s0  }
0xbd: {  	s0 =	sadd.s32 $0x8F2B, s0  }
0xbe: {  	[sflag:s0] =	ssyncadd.remote.s32 $0x1  }
0xbf: {  	_ =	sfence.sel $0xFFFF  }
0xc0: {  	[dreg:$0x0] =	wrdreg $0xFFFFFFFF;
	(pc) =	sbr.abs _section_cstart, $3  }
0xc1: {  	[dreg:$0x1] =	wrdreg $0xFFFFFFFF  }
0xc2: {  	_ =	task.clear_ibuf [dreg:s7], $0x2FFFF;
	_ =	strace $0x9FFFFFFF  }
0xc3: {  	(tm) =	ssettm $0x7FFFFFFF  }
tec
execute0_lowered:
.L_overlay_start_1:
0x0: {  	(tag) =	ssettag $0x1  }
0x1: {  	s1 =	rddreg [dreg:$0x0]  }
0x2: {  	s2 =	srdreg.scid;
	s5 =	rddreg [dreg:$0x1]  }
0x3: {  	s0 =	stileid.u32;
	s3 =	rddreg [dreg:$0x2]  }
0x4: {  	s4 =	simm.s32 $0x0;
	s28 =	simm.s32 $0x1;
	s6 =	sand.u32 $0x1, s2  }
0x5: {  	s22 =	sshll.u32 s0, $0x1;
	[smem:$0x7FF] =	sst s4;
	s8 =	smul.u32 $0x50000, s0  }
0x6: {  	s17 =	smul.u32 $0x14000, s0;
	s18 =	sadd.s32 $0x16600, s5;
	s7 =	sor.u32 s6, s22  }
0x7: {  	_ =	strace $0x8000004D;
	s16 =	smul.u32 $0x140000, s6;
	s6 =	ssub.s32 $0x2, s6  }
0x8: {  	s7 =	smul.u32 $0x500, s7;
	s23 =	sshrl.u32 s6, $0x1;
	s8 =	sshrl.u32 s8, $0x2  }
0x9: {  	s15 =	sadd.s32 $0x4000, s17;
	s19 =	sadd.s32 $0x8000, s17;
	s26 =	sadd.s32 $0xC000, s17  }
0xa: {  	s9 =	ssub.s32 s6, s23;
	s24 =	sadd.s32 s16, s17;
	s13 =	sadd.s32 s16, s15  }
0xb: {  	s20 =	sadd.s32 s16, s19;
	s22 =	sadd.s32 s15, s3;
	s21 =	sadd.s32 s16, s26  }
0xc: {  	s23 =	sadd.s32 $0x10000, s17;
	s7 =	sadd.s32 s7, s5;
	s5 =	sadd.s32 s8, s3  }
0xd: {  	s8 =	sshrl.u32 s24, $0x3;
	s9 =	smax.u32 s9, $0x1;
	s14 =	sshrl.u32 s13, $0x3  }
0xe: {  	s25 =	sshrl.u32 s20, $0x3;
	s24 =	sadd.s32 s19, s3;
	s29 =	sshrl.u32 s21, $0x3  }
0xf: {  	s30 =	sadd.s32 s16, s23;
	s19 =	simm.s32 $0x2;
	s20 =	simm.s32 $0x14000  }
0x10: {  	s21 =	simm.s32 $0x16800;
	s22 =	sshrl.u32 s22, $0x3;
	s6 =	sadd.s32 $0xC600, s7  }
0x11: {  	s7 =	sadd.s32 $0x2600, s7;
	s8 =	sadd.s32 s18, s8;
	s10 =	sadd.s32 $0x4000, s5  }
0x12: {  	s11 =	sadd.s32 $0x8000, s5;
	s12 =	sadd.s32 $0xC000, s5;
	s13 =	sadd.s32 $0x10000, s5  }
0x13: {  	s14 =	sadd.s32 s18, s14;
	s15 =	sadd.s32 s18, s25;
	s16 =	sadd.s32 s18, s29  }
0x14: {  	s25 =	sadd.s32 s26, s3;
	s31 =	sshrl.u32 s30, $0x3;
	s26 =	sadd.s32 s23, s3  }
0x15: {  	s23 =	sshrl.u32 s24, $0x3;
	s17 =	sadd.s32 s18, s31;
	s18 =	simm.s32 $0x19000  }
0x16: {  	v0 =	vimm.f32 $0.0e+00;
	s24 =	sshrl.u32 s25, $0x3;
	s25 =	sshrl.u32 s26, $0x3;
	s26 =	simm.s32 $0x80  }
.LBB2_1:
0x17: {  	s29 =	simm.s32 $0x0;
	s30 =	simm.s32 $0x200  }
.LBB2_2:
0x18: {  	p0 =	sne.s32 s30, $0xFE00;
	[tilespmem:s29+$0x19070] =	vst v0  }
0x19: {  	[tilespmem:s29+$0x19000] =	vst v0  }
0x1a: {  	[tilespmem:s29+$0x19010] =	vst v0  }
.Ltmp0:
0x1b: {  	[tilespmem:s29+$0x19020] =	vst v0;
	(pc) =	sbr.rel @p0 .LBB2_2-.Ltmp0, $4  }
0x1c: {  	[tilespmem:s29+$0x19030] =	vst v0  }
0x1d: {  	[tilespmem:s29+$0x19040] =	vst v0  }
0x1e: {  	[tilespmem:s29+$0x19050] =	vst v0  }
0x1f: {  	[tilespmem:s29+$0x19060] =	vst v0;
	s29 =	sshra.s32 s30, $0x2;
	s30 =	sadd.s32 $0x200, s30  }
0x20: {  	[tilespmem:s29+$0x19070] =	vst v0  }
0x21: {  	[tilespmem:s29+$0x19000] =	vst v0  }
0x22: {  	[tilespmem:s29+$0x19010] =	vst v0  }
0x23: {  	[tilespmem:s29+$0x19020] =	vst v0  }
0x24: {  	[tilespmem:s29+$0x19030] =	vst v0  }
0x25: {  	[tilespmem:s29+$0x19040] =	vst v0  }
0x26: {  	[tilespmem:s29+$0x19050] =	vst v0  }
0x27: {  	[tilespmem:s29+$0x19060] =	vst v0  }
0x28: {  	[spmem:s5] =	stream.linear.scatter [tilespmem:s18], [sflag:$0x2], $0x4000, $0x38;
	[tilespmem:$0x1D000] =	vst v63  }
0x29: {  	_ =	swait.ge [sflag:s19], $0x4000  }
0x2a: {  	[sflag:s19] =	ssyncset.done $0x0  }
0x2b: {  	[sflag:s19] =	ssyncadd.s32 $0xFFFFC000  }
0x2c: {  	[spmem:s10] =	stream.linear.scatter [tilespmem:s18], [sflag:$0x2], $0x4000, $0x38;
	[tilespmem:$0x1D000] =	vst v63  }
0x2d: {  	_ =	swait.ge [sflag:s19], $0x4000  }
0x2e: {  	[sflag:s19] =	ssyncset.done $0x0  }
0x2f: {  	[sflag:s19] =	ssyncadd.s32 $0xFFFFC000  }
0x30: {  	[spmem:s11] =	stream.linear.scatter [tilespmem:s18], [sflag:$0x2], $0x4000, $0x38;
	[tilespmem:$0x1D000] =	vst v63  }
0x31: {  	_ =	swait.ge [sflag:s19], $0x4000  }
0x32: {  	[sflag:s19] =	ssyncset.done $0x0  }
0x33: {  	[sflag:s19] =	ssyncadd.s32 $0xFFFFC000  }
0x34: {  	[spmem:s12] =	stream.linear.scatter [tilespmem:s18], [sflag:$0x2], $0x4000, $0x38;
	[tilespmem:$0x1D000] =	vst v63  }
0x35: {  	_ =	swait.ge [sflag:s19], $0x4000  }
0x36: {  	[sflag:s19] =	ssyncset.done $0x0  }
0x37: {  	[sflag:s19] =	ssyncadd.s32 $0xFFFFC000  }
0x38: {  	[spmem:s13] =	stream.linear.scatter [tilespmem:s18], [sflag:$0x2], $0x4000, $0x38;
	[tilespmem:$0x1D000] =	vst v63  }
0x39: {  	_ =	swait.ge [sflag:s19], $0x4000  }
0x3a: {  	[sflag:s19] =	ssyncset.done $0x0  }
0x3b: {  	[sflag:s19] =	ssyncadd.s32 $0xFFFFC000  }
0x3c: {  	s29 =	simm.s32 $0x0;
	[bflag:$0x0] =	sbarrier.arrive $0xFFFF  }
0x3d: {  	[tilespmem:s20], [sflag:$0x2] =	stream.linear.gather [hbm4b:s6+s29], $0x2780, $0x38;
	[tilespmem:$0x1D000] =	vst v63  }
0x3e: {  	_ =	swait.ge [sflag:s19], $0x2780  }
0x3f: {  	[sflag:s19] =	ssyncset.done $0x0  }
0x40: {  	[sflag:s19] =	ssyncadd.s32 $0xFFFFD880  }
0x41: {  	[tilespmem:s21], [sflag:$0x2] =	stream.linear.gather [hbm4b:s7+s29], $0x2780, $0x38;
	[tilespmem:$0x1D000] =	vst v63  }
0x42: {  	_ =	swait.ge [sflag:s19], $0x2780  }
0x43: {  	[sflag:s19] =	ssyncset.done $0x0  }
0x44: {  	s29 =	simm.s32 $0x14000;
	[sflag:s19] =	ssyncadd.s32 $0xFFFFD880  }
0x45: {  	[tilespmem:s18], [sflag:$0x1] =	stream.indirect.gather [hbm4b:s1+s26], $0x80, s29, s26, $0xb8;
	[tilespmem:$0x1D000] =	vst v63  }
0x46: {  	_ =	swait.ge [sflag:s28], $0x4000  }
0x47: {  	[sflag:s28] =	ssyncset.done $0x0  }
0x48: {  	s29 =	simm.s32 $0x16800;
	[sflag:s28] =	ssyncadd.s32 $0xFFFFC000  }
0x49: {  	[spmem:s3] =	stream.indirect.scatter.add.f32 [tilespmem:s18], [sflag:$0x2], $0x80, s29, s26, $0xb8;
	[tilespmem:$0x1D000] =	vst v63  }
0x4a: {  	_ =	swait.ge [sflag:s19], $0x4000  }
0x4b: {  	s30 =	simm.s32 $0x400;
	s29 =	simm.s32 $0x80;
	[sflag:s19] =	ssyncset.done $0x0  }
.LBB2_4:
0x4c: {  	s31 =	sadd.s32 $0x14000, s29  }
0x4d: {  	[sflag:s19] =	ssyncadd.s32 $0xFFFFC000;
	s2 =	smov.u32 s30;
	s0 =	sadd.s32 $0x200, s30  }
0x4e: {  	[tilespmem:s18], [sflag:$0x1] =	stream.indirect.gather [hbm4b:s1+s26], $0x80, s31, s26, $0xb8;
	[tilespmem:$0x1D000] =	vst v63  }
0x4f: {  	p0 =	sne.s32 s30, $0x9C00;
	_ =	swait.ge [sflag:s28], $0x4000  }
.Ltmp1:
0x50: {  	[sflag:s28] =	ssyncset.done $0x0;
	(pc) =	sbr.rel @p0 .LBB2_4-.Ltmp1, $4  }
0x51: {  	s29 =	sadd.s32 $0x16800, s29;
	[sflag:s28] =	ssyncadd.s32 $0xFFFFC000  }
0x52: {  	[spmem:s3] =	stream.indirect.scatter.add.f32 [tilespmem:s18], [sflag:$0x2], $0x80, s29, s26, $0xb8;
	[tilespmem:$0x1D000] =	vst v63  }
0x53: {  	_ =	swait.ge [sflag:s19], $0x4000  }
0x54: {  	s30 =	smov.u32 s0;
	s29 =	sshra.s32 s2, $0x2;
	[sflag:s19] =	ssyncset.done $0x0  }
0x55: {  	s0 =	sadd.s32 $0x14000, s29;
	[sflag:s19] =	ssyncadd.s32 $0xFFFFC000  }
0x56: {  	[tilespmem:s18], [sflag:$0x1] =	stream.indirect.gather [hbm4b:s1+s26], $0x80, s0, s26, $0xb8;
	[tilespmem:$0x1D000] =	vst v63  }
0x57: {  	_ =	swait.ge [sflag:s28], $0x4000  }
0x58: {  	[sflag:s28] =	ssyncset.done $0x0  }
0x59: {  	s30 =	sadd.s32 $0x16800, s29;
	[sflag:s28] =	ssyncadd.s32 $0xFFFFC000  }
0x5a: {  	[spmem:s3] =	stream.indirect.scatter.add.f32 [tilespmem:s18], [sflag:$0x2], $0x80, s30, s26, $0xb8;
	[tilespmem:$0x1D000] =	vst v63  }
0x5b: {  	_ =	swait.ge [sflag:s19], $0x4000  }
0x5c: {  	s31 =	stileid.u32;
	[sflag:s19] =	ssyncset.done $0x0  }
0x5d: {  	s0 =	sshll.u32 s31, $0x6;
	[sflag:s19] =	ssyncadd.s32 $0xFFFFC000  }
0x5e: {  	s2 =	sshrl.u32 s5, $0x3;
	s0 =	sor.u32 $0x1C02, s0;
	[bflag:$0x0] =	sbarrier.arrive $0xFFFF  }
0x5f: {  	[hbm:s8], [sflag:s0] =	dma.local [spmem:s2], $0x800  }
0x60: {  	_ =	swait.ge [sflag:s19], $0x800  }
0x61: {  	[sflag:s19] =	ssyncset.done $0x0  }
0x62: {  	[sflag:s19] =	ssyncadd.s32 $0xFFFFF800  }
0x63: {  	[hbm:s14], [sflag:s0] =	dma.local [spmem:s22], $0x800  }
0x64: {  	_ =	swait.ge [sflag:s19], $0x800  }
0x65: {  	[sflag:s19] =	ssyncset.done $0x0  }
0x66: {  	[sflag:s19] =	ssyncadd.s32 $0xFFFFF800  }
0x67: {  	[hbm:s15], [sflag:s0] =	dma.local [spmem:s23], $0x800  }
0x68: {  	_ =	swait.ge [sflag:s19], $0x800  }
0x69: {  	[sflag:s19] =	ssyncset.done $0x0  }
0x6a: {  	[sflag:s19] =	ssyncadd.s32 $0xFFFFF800  }
0x6b: {  	[hbm:s16], [sflag:s0] =	dma.local [spmem:s24], $0x800  }
0x6c: {  	s4 =	sadd.s32 $0x1, s4;
	_ =	swait.ge [sflag:s19], $0x800  }
0x6d: {  	p0 =	sne.s32 s4, s9;
	[sflag:s19] =	ssyncset.done $0x0  }
.Ltmp2:
0x6e: {  	[sflag:s19] =	ssyncadd.s32 $0xFFFFF800;
	(pc) =	sbr.rel @p0 .LBB2_1-.Ltmp2, $4  }
0x6f: {  	[hbm:s17], [sflag:s0] =	dma.local [spmem:s25], $0x800  }
0x70: {  	_ =	swait.ge [sflag:s19], $0x800  }
0x71: {  	[sflag:s19] =	ssyncset.done $0x0  }
0x72: {  	[sflag:s19] =	ssyncadd.s32 $0xFFFFF800  }
0x73: {  	_ =	sfence.sel $0x180000  }
0x74: {  	[bflag:$0x0] =	sbarrier.arrive $0xFFFF  }
0x75: {  	_ =	strace $0x9000004D  }
0x76: {  	s0 =	stileid.u32;
	[bflag:$0x2] =	sbarrier.arrive $0xFFFF  }
0x77: {  	p0 =	sne.s32 s0, $0x0;
	s0 =	rddreg [dreg:$0x3]  }
0x78: {  	s0 =	sadd.s32 @!p0 $0x100000, s0  }
0x79: {  	[sflag:s0] =	ssyncadd.tile.s32 @!p0 $0x1;
	_ =	shalt  }
.Lfunc_end2:
_tile_overlayer_lowered:
.L_overlay_start_2:
0x7a: {  	(tag) =	ssettag $0x2  }
0x7b: {  	s0 =	rddreg [dreg:$0x0];
	s2 =	stileid.u32  }
0x7c: {  	s1 =	rddreg [dreg:$0x1];
	p0 =	sne.s32 s2, $0x0  }
0x7d: {  	s3 =	rddreg [dreg:$0x2];
	[bflag:$0x3] =	sbarrier.arrive $0xFFFF;
	s2 =	simm.s32 @!p0 $0x1C02  }
0x7e: {  	[timem:s3], [sflag:s2] =	dma.local @!p0 [hbm:s0], s1  }
0x7f: {  	s0 =	simm.s32 @!p0 $0x2  }
0x80: {  	_ =	swait.ge @!p0 [sflag:s0], s1  }
0x81: {  	s1 =	ssub.s32 @!p0 $0x0, s1;
	[sflag:s0] =	ssyncset.done @!p0 $0x0  }
0x82: {  	[sflag:s0] =	ssyncadd.s32 @!p0 s1  }
0x83: {  	[bflag:$0x3] =	sbarrier.arrive $0xFFFF  }
0x84: {  	_ =	shalt  }

// kernel: kernel.8.cloned.1.call-start
scs
__scs_entry_jumppad:
0x0: {  	(pc) =	sbr.rel $0x88, $3  }
0x1: {  	(tag) =	ssettag $0x0;
	lr =	simm.s32 $0x1  }
0x2: {  	[smem:$0x3F9B] =	sst lr;
	_ =	strace $0xD0000000  }
0x3: {  	_ = 	snop  }
0x4: {  	_ = 	snop  }
0x5: {  	_ = 	snop  }
0x6: {  	_ = 	snop  }
0x7: {  	_ = 	snop  }
__scs_overlays_trampoline_lowered:
0x8: {  	[smem:$0x3FAA] =	sst s0  }
0x9: {  	[smem:$0x3FAB] =	sst s1  }
0xa: {  	[smem:$0x3FAC] =	sst s2  }
0xb: {  	[smem:$0x3FAD] =	sst s3  }
0xc: {  	[smem:$0x3FAE] =	sst s4  }
0xd: {  	[smem:$0x3FAF] =	sst s5  }
0xe: {  	[smem:$0x3FB0] =	sst s6  }
0xf: {  	[smem:$0x3FB1] =	sst s7  }
0x10: {  	[smem:$0x3FB2] =	sst s8  }
0x11: {  	[smem:$0x3FB3] =	sst s9;
	s0 =	simm.s32 @!p0 $0x0  }
0x12: {  	s1 =	sld [smem:$0x3F99];
	s0 =	simm.s32 @p0 $0x1  }
0x13: {  	[smem:$0x3FB4] =	sst s0;
	s0 =	simm.s32 @!p1 $0x0  }
0x14: {  	s2 =	sld [smem:$0x3F98];
	s0 =	simm.s32 @p1 $0x1  }
0x15: {  	[smem:$0x3FB5] =	sst s0;
	s0 =	simm.s32 @!p2 $0x0  }
0x16: {  	s3 =	sld [smem:$0x3FDB];
	s0 =	simm.s32 @p2 $0x1  }
0x17: {  	s4 =	simm.s32 $0x1BF5;
	[smem:$0x3FB7] =	sst s0  }
0x18: {  	s0 =	sld [smem:$0x3F9A];
	_ =	swait.ge [sflag:s4], $0x0  }
0x19: {  	s7 =	sld [smem:$0x3F9B]  }
0x1a: {  	s8 =	sadd.s32 $0xFFFFE003, lr  }
0x1b: {  	s9 =	sadd.s32 $0xFFFFFEF7, lr;
	s5 =	simm.s32 $0xFFFFFFFF;
	p2 =	slt.u32 s8, $0xFFFFF086  }
0x1c: {  	p1 =	slt.u32 s9, $0xF7A;
	s5 =	simm.s32 @!p2 $0x0  }
0x1d: {  	s5 =	simm.s32 @p1 $0x1;
	p0 =	seq.s32 s7, s2  }
0x1e: {  	s7 =	smul.u32 @!p0 $0xF7A, s2;
	p2 =	seq.s32 @!p0 s5, $0x0  }
0x1f: {  	s9 =	smul.u32 $0xF7A, s1;
	s8 =	simm.s32 @!p0 $0x1BF5;
	p2 =	por !p2, p0  }
0x20: {  	[sflag:s8] =	ssyncset.s32 @!p0 $0xFFFFF086;
	s6 =	sadd.s32 @!p0 s3, s7;
	s7 =	simm.s32 @!p0 $0x108  }
0x21: {  	s3 =	sadd.s32 s3, s9;
	s6 =	sadd.s32 @!p0 $0x88, s6;
	s7 =	simm.s32 @p2 $0x1082  }
0x22: {  	[simem:s7], [sflag:s8] =	dma.local @!p0 [hbm:s6], $0xF7A  }
0x23: {  	s9 =	sor.u32 $0xD0000000, s2;
	s6 =	simm.s32 $0x108;
	_ =	swait.ge @!p0 [sflag:s8], $0x0  }
0x24: {  	s3 =	sadd.s32 $0x88, s3;
	s6 =	simm.s32 @!p1 $0x1082;
	[sflag:s4] =	ssyncset.s32 $0xFFFFF086  }
0x25: {  	[simem:s6], [sflag:s4] =	dma.local [hbm:s3], $0xF7A  }
0x26: {  	[smem:$0x3F9B] =	sst s1;
	(tag) =	ssettag s2;
	_ =	strace s9  }
0x27: {  	s1 =	sld [smem:$0x3FAB]  }
0x28: {  	s2 =	sld [smem:$0x3FAC]  }
0x29: {  	s4 =	sld [smem:$0x3FAE]  }
0x2a: {  	p0 =	seq.s32 s5, $0x0;
	s5 =	sld [smem:$0x3FAF]  }
0x2b: {  	s6 =	sld [smem:$0x3FB0]  }
0x2c: {  	s7 =	sld [smem:$0x3FB1]  }
0x2d: {  	s3 =	simm.s32 $0x108;
	s8 =	sld [smem:$0x3FB2]  }
0x2e: {  	s3 =	simm.s32 @!p0 $0x1082;
	s9 =	sld [smem:$0x3FB3]  }
0x2f: {  	lr =	sadd.s32 s0, s3;
	s0 =	sld [smem:$0x3FAA]  }
0x30: {  	s3 =	sld [smem:$0x3FAD]  }
0x31: {  	[smem:$0x3FB6] =	sst s10  }
0x32: {  	s10 =	sld [smem:$0x3FB4];
	_ =	sdelay $0x3  }
0x33: {  	p0 =	seq.s32 s10, $0x1;
	s10 =	sld [smem:$0x3FB6];
	_ =	sdelay $0x3  }
0x34: {  	[smem:$0x3FB6] =	sst s10  }
0x35: {  	s10 =	sld [smem:$0x3FB5];
	_ =	sdelay $0x3  }
0x36: {  	p1 =	seq.s32 s10, $0x1;
	s10 =	sld [smem:$0x3FB6];
	_ =	sdelay $0x3  }
0x37: {  	[smem:$0x3FB6] =	sst s10  }
0x38: {  	s10 =	sld [smem:$0x3FB7]  }
0x39: {  	_ = 	snop;
	(pc) =	sbr.ind lr, $3  }
0x3a: {  	_ = 	snop  }
0x3b: {  	_ = 	snop  }
0x3c: {  	p2 =	seq.s32 s10, $0x1;
	s10 =	sld [smem:$0x3FB6]  }
0x3d: {  	_ =	shalt  }
0x3e: {  	_ =	shalt  }
0x3f: {  	_ =	shalt  }
0x40: {  	_ =	shalt  }
0x41: {  	_ =	shalt  }
0x42: {  	_ =	shalt  }
0x43: {  	_ =	shalt  }
0x44: {  	_ =	shalt  }
0x45: {  	_ =	shalt  }
0x46: {  	_ =	shalt  }
0x47: {  	_ =	shalt  }
0x48: {  	_ =	shalt  }
0x49: {  	_ =	shalt  }
0x4a: {  	_ =	shalt  }
0x4b: {  	_ =	shalt  }
0x4c: {  	_ =	shalt  }
0x4d: {  	_ =	shalt  }
0x4e: {  	_ =	shalt  }
0x4f: {  	_ =	shalt  }
0x50: {  	_ =	shalt  }
0x51: {  	_ =	shalt  }
0x52: {  	_ =	shalt  }
0x53: {  	_ =	shalt  }
0x54: {  	_ =	shalt  }
0x55: {  	_ =	shalt  }
0x56: {  	_ =	shalt  }
0x57: {  	_ =	shalt  }
0x58: {  	_ =	shalt  }
0x59: {  	_ =	shalt  }
0x5a: {  	_ =	shalt  }
0x5b: {  	_ =	shalt  }
0x5c: {  	_ =	shalt  }
0x5d: {  	_ =	shalt  }
0x5e: {  	_ =	shalt  }
0x5f: {  	_ =	shalt  }
0x60: {  	_ =	shalt  }
0x61: {  	_ =	shalt  }
0x62: {  	_ =	shalt  }
0x63: {  	_ =	shalt  }
0x64: {  	_ =	shalt  }
0x65: {  	_ =	shalt  }
0x66: {  	_ =	shalt  }
0x67: {  	_ =	shalt  }
0x68: {  	_ =	shalt  }
0x69: {  	_ =	shalt  }
0x6a: {  	_ =	shalt  }
0x6b: {  	_ =	shalt  }
0x6c: {  	_ =	shalt  }
0x6d: {  	_ =	shalt  }
0x6e: {  	_ =	shalt  }
0x6f: {  	_ =	shalt  }
0x70: {  	_ =	shalt  }
0x71: {  	_ =	shalt  }
0x72: {  	_ =	shalt  }
0x73: {  	_ =	shalt  }
0x74: {  	_ =	shalt  }
0x75: {  	_ =	shalt  }
0x76: {  	_ =	shalt  }
0x77: {  	_ =	shalt  }
0x78: {  	_ =	shalt  }
0x79: {  	_ =	shalt  }
0x7a: {  	_ =	shalt  }
0x7b: {  	_ =	shalt  }
0x7c: {  	_ =	shalt  }
0x7d: {  	_ =	shalt  }
0x7e: {  	_ =	shalt  }
0x7f: {  	_ =	shalt  }
0x80: {  	_ =	shalt  }
0x81: {  	_ =	shalt  }
0x82: {  	_ =	shalt  }
0x83: {  	_ =	shalt  }
0x84: {  	_ =	shalt  }
0x85: {  	_ =	shalt  }
0x86: {  	_ =	shalt  }
0x87: {  	_ =	shalt  }
.Lfunc_end0:
.L_simem_size_0:
called_computation_lowered:
.L_overlay_start_0:
0x88: {  	s2 =	sld [smem:$0x3FD9]  }
0x89: {  	s3 =	sld [smem:$0x3FFE];
	_ =	sdelay $0x1  }
0x8a: {  	s1 =	srdreg.scid  }
0x8b: {  	s0 =	sand.u32 $0x1, s1  }
0x8c: {  	s17 =	sshll.u32 s0, $0xA;
	s2 =	sadd.s32 s3, s2  }
0x8d: {  	s2 =	sadd.s32 s2, s17  }
0x8e: {  	[smem:$0x3FC2] =	sst s2  }
0x8f: {  	_ = 	snop  }
0x90: {  	s2 =	sld [smem:$0x3FD0];
	(tm) =	ssettm $0x1  }
0x91: {  	s18 =	sld [smem:$0x3FFB];
	_ =	sdelay $0x3  }
0x92: {  	_ =	strace s18  }
0x93: {  	s3 =	sld [smem:$0x3FFC];
	_ =	sdelay $0x3  }
0x94: {  	_ =	strace s3  }
0x95: {  	s3 =	sld [smem:$0x3FFD];
	_ =	sdelay $0x3  }
0x96: {  	_ =	strace s3  }
0x97: {  	_ =	strace $0x8FFFFFFF  }
0x98: {  	s19 =	sld [smem:$0x3FDB];
	_ =	sdelay $0x1  }
0x99: {  	s4 =	simm.s32 $_scs_section_size  }
0x9a: {  	s5 =	simm.s32 $_size__tile_overlayer_lowered;
	s6 =	simm.s32 $_tile_overlayer_lowered  }
0x9b: {  	s22 =	simm.s32 $0x1BFF;
	s21 =	sshll.u32 s6, $0x1;
	s3 =	sadd.s32 s4, s19  }
0x9c: {  	s7 =	simm.s32 $0x0;
	s20 =	sshll.u32 s5, $0x1;
	s5 =	sadd.s32 s21, s3  }
0x9d: {  	[timem:s7], [sflag:s22] =	dma.local [hbm:s5], s20  }
0x9e: {  	_ =	swait.ge [sflag:s22], s20  }
0x9f: {  	s4 =	ssub.s32 $0x0, s20;
	[sflag:s22] =	ssyncset.done $0x0  }
0xa0: {  	[sflag:s22] =	ssyncadd.s32 s4;
	_ =	sdelay $0x1  }
0xa1: {  	s23 =	simm.s32 $0x1B8B  }
0xa2: {  	_ =	swait.ge [sflag:s23], $0x1  }
0xa3: {  	[sflag:s23] =	ssyncset.done $0x0  }
0xa4: {  	s25 =	simm.s32 $0x1B8E;
	s24 =	sld [smem:$0x3FFE];
	[sflag:s23] =	ssyncadd.s32 $0xFFFFFFFF  }
0xa5: {  	s26 =	simm.s32 $execute0_lowered;
	[smem:$0x3FD2] =	sst s25  }
0xa6: {  	s5 =	sshll.u32 s26, $0x1;
	_ =	strace $0x80000046;
	[dreg:$0x1] =	wrdreg $0xFFFFFFFF  }
0xa7: {  	s28 =	simm.s32 $_size_execute0_lowered;
	s3 =	sadd.s32 s3, s5;
	[dreg:$0x0] =	wrdreg $0x0  }
0xa8: {  	s5 =	sshll.u32 s28, $0x1;
	[dreg:$0x2] =	wrdreg s3  }
0xa9: {  	[dreg:$0x3] =	wrdreg s5  }
0xaa: {  	[dreg:$0x4] =	wrdreg $0xC0  }
0xab: {  	_ =	task [dreg:s7], $0x5FFFF  }
0xac: {  	[dreg:$0x1] =	wrdreg $0xFFFFFFFF  }
0xad: {  	[dreg:$0x0] =	wrdreg $0x60  }
0xae: {  	[dreg:$0x2] =	wrdreg s24  }
0xaf: {  	[dreg:$0x3] =	wrdreg s2  }
0xb0: {  	[dreg:$0x4] =	wrdreg $0x0  }
0xb1: {  	[dreg:$0x5] =	wrdreg $0x9  }
0xb2: {  	_ =	task.clear_ibuf [dreg:s7], $0x6FFFF;
	_ =	strace $0x90000046  }
0xb3: {  	s29 =	simm.s32 $0x9;
	_ =	strace $0x80000048  }
0xb4: {  	_ =	swait.ge [sflag:s29], $0x1  }
0xb5: {  	[sflag:s29] =	ssyncadd.s32 $0xFFFFFFFF  }
0xb6: {  	_ =	strace $0x90000048  }
0xb7: {  	_ =	sfence  }
0xb8: {  	s30 =	sld [smem:$0x0];
	_ =	sdelay $0x2  }
0xb9: {  	s31 =	sshll.u32 s1, $0xD;
	s1 =	sshrl.u32 s1, $0x2  }
0xba: {  	s3 =	sand.u32 $0x4000, s31;
	s1 =	sadd.s32 s1, s30  }
0xbb: {  	s0 =	sor.u32 s3, s0;
	s1 =	sshll.u32 s1, $0x11  }
0xbc: {  	s0 =	sor.u32 s1, s0  }
0xbd: {  	s0 =	sadd.s32 $0x8F2B, s0  }
0xbe: {  	[sflag:s0] =	ssyncadd.remote.s32 $0x1  }
0xbf: {  	_ =	sfence.sel $0xFFFF  }
0xc0: {  	[dreg:$0x0] =	wrdreg $0xFFFFFFFF;
	(pc) =	sbr.abs _section_cstart, $3  }
0xc1: {  	[dreg:$0x1] =	wrdreg $0xFFFFFFFF  }
0xc2: {  	_ =	task.clear_ibuf [dreg:s7], $0x2FFFF;
	_ =	strace $0x9FFFFFFF  }
0xc3: {  	(tm) =	ssettm $0x7FFFFFFF  }
tec
execute0_lowered:
.L_overlay_start_1:
0x0: {  	(tag) =	ssettag $0x1  }
0x1: {  	s4 =	rddreg [dreg:$0x0]  }
0x2: {  	s6 =	rddreg [dreg:$0x1];
	s1 =	srdreg.scid  }
0x3: {  	s0 =	stileid.u32;
	s2 =	rddreg [dreg:$0x2]  }
0x4: {  	s3 =	simm.s32 $0x0;
	s11 =	simm.s32 $0x80;
	s12 =	simm.s32 $0x2A80  }
0x5: {  	s15 =	simm.s32 $0x20;
	s16 =	simm.s32 $0x10;
	s17 =	simm.s32 $0x0  }
0x6: {  	s5 =	sand.u32 $0x1, s1;
	s1 =	rddreg [dreg:$0x3];
	s8 =	smul.u32 $0x500, s0  }
0x7: {  	s7 =	sshll.u32 s0, $0x1;
	[smem:$0x7FF] =	sst s3;
	s10 =	smul.u32 $0xA00, s0  }
0x8: {  	s13 =	sshll.u32 s0, $0x6;
	s7 =	sor.u32 s5, s7;
	_ =	strace $0x80000047  }
0x9: {  	s9 =	ssub.s32 $0x2, s5;
	s5 =	sshll.u32 s5, $0x7;
	s13 =	sor.u32 $0x1C01, s13  }
0xa: {  	s7 =	smul.u32 $0x500, s7;
	s28 =	sshrl.u32 s9, $0x1;
	s5 =	sor.u32 s5, s8  }
0xb: {  	s30 =	sshrl.u32 s10, $0x2;
	s8 =	simm.s32 $0x2B00;
	s10 =	simm.s32 $0x280  }
0xc: {  	s29 =	ssub.s32 s9, s28;
	s31 =	sshrl.u32 s5, $0x3;
	s9 =	simm.s32 $0x1  }
0xd: {  	s7 =	sadd.s32 s7, s4;
	s4 =	sadd.s32 s30, s2;
	s6 =	sadd.s32 s6, s31  }
0xe: {  	v0 =	vimm.f32 $0.0e+00;
	v1 =	vimm.f32 $1.000000000e+00;
	s5 =	sadd.s32 $0x2600, s7;
	s7 =	smax.u32 s29, $0x1;
	s14 =	sshrl.u32 s4, $0x3  }
.LBB2_1:
0xf: {  	[tilespmem:$0x2B00] =	vst v0  }
0x10: {  	[tilespmem:$0x2B10] =	vst v0  }
0x11: {  	[tilespmem:$0x2B20] =	vst v0  }
0x12: {  	[tilespmem:$0x2B30] =	vst v0  }
0x13: {  	[tilespmem:$0x2B40] =	vst v0  }
0x14: {  	[tilespmem:$0x2B50] =	vst v0  }
0x15: {  	[tilespmem:$0x2B60] =	vst v0  }
0x16: {  	[tilespmem:$0x2B70] =	vst v0  }
0x17: {  	[tilespmem:$0x2B80] =	vst v0  }
0x18: {  	[tilespmem:$0x2B90] =	vst v0  }
0x19: {  	[tilespmem:$0x2BA0] =	vst v0  }
0x1a: {  	[tilespmem:$0x2BB0] =	vst v0  }
0x1b: {  	[tilespmem:$0x2BC0] =	vst v0  }
0x1c: {  	[tilespmem:$0x2BD0] =	vst v0  }
0x1d: {  	[tilespmem:$0x2BE0] =	vst v0  }
0x1e: {  	[tilespmem:$0x2BF0] =	vst v0  }
0x1f: {  	[tilespmem:$0x2C00] =	vst v0  }
0x20: {  	[tilespmem:$0x2C10] =	vst v0  }
0x21: {  	[tilespmem:$0x2C20] =	vst v0  }
0x22: {  	[tilespmem:$0x2C30] =	vst v0  }
0x23: {  	[tilespmem:$0x2C40] =	vst v0  }
0x24: {  	[tilespmem:$0x2C50] =	vst v0  }
0x25: {  	[tilespmem:$0x2C60] =	vst v0  }
0x26: {  	[tilespmem:$0x2C70] =	vst v0  }
0x27: {  	[tilespmem:$0x2C80] =	vst v0  }
0x28: {  	[tilespmem:$0x2C90] =	vst v0  }
0x29: {  	[tilespmem:$0x2CA0] =	vst v0  }
0x2a: {  	[tilespmem:$0x2CB0] =	vst v0  }
0x2b: {  	[tilespmem:$0x2CC0] =	vst v0  }
0x2c: {  	[tilespmem:$0x2CD0] =	vst v0  }
0x2d: {  	[tilespmem:$0x2CE0] =	vst v0  }
0x2e: {  	[tilespmem:$0x2CF0] =	vst v0  }
0x2f: {  	[tilespmem:$0x2D00] =	vst v0  }
0x30: {  	[tilespmem:$0x2D10] =	vst v0  }
0x31: {  	[tilespmem:$0x2D20] =	vst v0  }
0x32: {  	[tilespmem:$0x2D30] =	vst v0  }
0x33: {  	[tilespmem:$0x2D40] =	vst v0  }
0x34: {  	[tilespmem:$0x2D50] =	vst v0  }
0x35: {  	[tilespmem:$0x2D60] =	vst v0  }
0x36: {  	[tilespmem:$0x2D70] =	vst v0  }
0x37: {  	[tilespmem:$0x2A80] =	vst v1  }
0x38: {  	[tilespmem:$0x2A90] =	vst v1  }
0x39: {  	[tilespmem:$0x2AA0] =	vst v1  }
0x3a: {  	[tilespmem:$0x2AB0] =	vst v1  }
0x3b: {  	[tilespmem:$0x2AC0] =	vst v1  }
0x3c: {  	[tilespmem:$0x2AD0] =	vst v1  }
0x3d: {  	[tilespmem:$0x2AE0] =	vst v1  }
0x3e: {  	[tilespmem:$0x2AF0] =	vst v1  }
0x3f: {  	[spmem:s4] =	stream.linear.scatter [tilespmem:s8], [sflag:$0x1], $0x280, $0x38;
	[tilespmem:$0x2D80] =	vst v63  }
0x40: {  	_ =	swait.ge [sflag:s9], $0x280  }
0x41: {  	[sflag:s9] =	ssyncset.done $0x0  }
0x42: {  	[sflag:s9] =	ssyncadd.s32 $0xFFFFFD80  }
0x43: {  	[bflag:$0x0] =	sbarrier.arrive $0xFFFF  }
0x44: {  	[tilespmem:s10], [sflag:$0x1] =	stream.linear.gather [hbm4b:s5+s3], $0x2780, $0x38;
	[tilespmem:$0x2D80] =	vst v63  }
0x45: {  	_ =	swait.ge [sflag:s9], $0x2780  }
0x46: {  	[sflag:s9] =	ssyncset.done $0x0  }
0x47: {  	s18 =	simm.s32 $0x280;
	[sflag:s9] =	ssyncadd.s32 $0xFFFFD880  }
0x48: {  	[spmem:s2] =	stream.indirect.scatter.add.f32 [tilespmem:s12], [sflag:$0x1], $0x1, s18, s11, $0xb8;
	[tilespmem:$0x2D80] =	vst v63  }
0x49: {  	s18 =	simm.s32 $0x200;
	_ =	swait.ge [sflag:s9], $0x80  }
.LBB2_2:
0x4a: {  	s19 =	sshra.s32 s18, $0x2;
	[sflag:s9] =	ssyncset.done $0x0;
	p0 =	sne.s32 s18, $0x9C00  }
.Ltmp0:
0x4b: {  	s19 =	sadd.s32 $0x280, s19;
	[sflag:s9] =	ssyncadd.s32 $0xFFFFFF80;
	(pc) =	sbr.rel @p0 .LBB2_2-.Ltmp0, $3  }
0x4c: {  	[spmem:s2] =	stream.indirect.scatter.add.f32 [tilespmem:s12], [sflag:$0x1], $0x1, s19, s11, $0xb8;
	[tilespmem:$0x2D80] =	vst v63  }
0x4d: {  	s18 =	sadd.s32 $0x200, s18;
	_ =	sdelay $0x1  }
0x4e: {  	_ =	swait.ge [sflag:s9], $0x80  }
0x4f: {  	[sflag:s9] =	ssyncset.done $0x0;
	s17 =	sadd.s32 $0x1, s17  }
0x50: {  	[sflag:s9] =	ssyncadd.s32 $0xFFFFFF80;
	p0 =	sne.s32 s17, s7  }
.Ltmp1:
0x51: {  	[bflag:$0x0] =	sbarrier.arrive $0xFFFF;
	(pc) =	sbr.rel @p0 .LBB2_1-.Ltmp1, $4  }
0x52: {  	[hbm:s6@s15], [sflag:s13] =	dma.strided [spmem:s14@s16], $0x50, s9, $0x10   }
0x53: {  	_ =	swait.ge [sflag:s9], $0x50  }
0x54: {  	[sflag:s9] =	ssyncset.done $0x0  }
0x55: {  	[sflag:s9] =	ssyncadd.s32 $0xFFFFFFB0  }
0x56: {  	_ =	sfence.sel $0x180000  }
0x57: {  	[bflag:$0x0] =	sbarrier.arrive $0xFFFF  }
0x58: {  	p0 =	sne.s32 s0, $0x0;
	_ =	strace $0x90000047  }
0x59: {  	s0 =	sadd.s32 @!p0 $0x100000, s1;
	[bflag:$0x2] =	sbarrier.arrive $0xFFFF  }
0x5a: {  	[sflag:s0] =	ssyncadd.tile.s32 @!p0 $0x1;
	_ =	shalt  }
.Lfunc_end2:
_tile_overlayer_lowered:
.L_overlay_start_2:
0x5b: {  	(tag) =	ssettag $0x2  }
0x5c: {  	s0 =	rddreg [dreg:$0x0];
	s2 =	stileid.u32  }
0x5d: {  	s1 =	rddreg [dreg:$0x1];
	p0 =	sne.s32 s2, $0x0  }
0x5e: {  	s3 =	rddreg [dreg:$0x2];
	[bflag:$0x3] =	sbarrier.arrive $0xFFFF;
	s2 =	simm.s32 @!p0 $0x1C01  }
0x5f: {  	[timem:s3], [sflag:s2] =	dma.local @!p0 [hbm:s0], s1  }
0x60: {  	s0 =	simm.s32 @!p0 $0x1  }
0x61: {  	_ =	swait.ge @!p0 [sflag:s0], s1  }
0x62: {  	s1 =	ssub.s32 @!p0 $0x0, s1;
	[sflag:s0] =	ssyncset.done @!p0 $0x0  }
0x63: {  	[sflag:s0] =	ssyncadd.s32 @!p0 s1  }
0x64: {  	[bflag:$0x3] =	sbarrier.arrive $0xFFFF  }
0x65: {  	_ =	shalt  }

</sc_bundles>
